<compile_context>
chip_gen: v7x
topology: tpu7x:2x2x1
jax: 0.10.2.dev20260603
libtpu: 0.0.44.dev20260713+nightly
codegen_flags: <defaults>
</compile_context>

<pallas_src>
import functools

import jax
import jax.numpy as jnp
from jax import lax
from jax.experimental import pallas as pl
from jax.experimental.pallas import tpu as pltpu
from jax.experimental.pallas import tpu_sc as plsc

NC = 2
NS = 16
NW = NC * NS
EB = 128


def _mesh():
    return plsc.VectorSubcoreMesh(
        core_axis_name="c", subcore_axis_name="s", num_cores=NC, num_subcores=NS
    )


def _pad_rows(n):
    per = -(-n // NS)
    per = -(-per // 8) * 8
    return per * NS, per


def _sc_params():
    return pltpu.CompilerParams(use_tc_tiling_on_sc=False)


def _make_deg(n, e2):
    assert e2 % (NW * EB) == 0
    chunks = e2 // (NW * EB)
    npad, rows_per_tile = _pad_rows(n)

    @functools.partial(
        pl.kernel,
        out_type=jax.ShapeDtypeStruct((NC, npad, 16), jnp.float32),
        mesh=_mesh(),
        compiler_params=_sc_params(),
        scratch_types=[
            pltpu.VMEM((chunks, EB), jnp.int32),
            pltpu.VMEM((EB, 16), jnp.float32),
            pltpu.VMEM_SHARED((npad, 16), jnp.float32),
            pltpu.SemaphoreType.DMA,
        ],
    )
    def deg_kernel(dsti_hbm, ones_hbm, zeros_hbm, out_hbm, dix, onesv, acc, sem):
        c = lax.axis_index("c")
        s = lax.axis_index("s")
        w = c * NS + s

        pltpu.sync_copy(dsti_hbm.at[pl.ds(w * chunks, chunks)], dix)
        pltpu.sync_copy(ones_hbm, onesv)
        sl = pl.ds(s * rows_per_tile, rows_per_tile)
        pltpu.sync_copy(zeros_hbm, acc.at[sl])
        plsc.subcore_barrier()

        @pl.loop(0, chunks)
        def _edges(i):
            pltpu.async_copy(onesv, acc.at[dix.at[i]], sem, add=True)

        @pl.loop(0, chunks)
        def _drain(i):
            pltpu.make_async_copy(ones_hbm, onesv, sem).wait()

        plsc.subcore_barrier()
        pltpu.sync_copy(acc.at[sl], out_hbm.at[c, sl])

    return deg_kernel


def _make_mp(n, e2, dh2, spmem_table=False):
    assert e2 % (NS * EB) == 0
    chunks = e2 // (NS * EB)
    nch = e2 // EB
    npad, rows_per_tile = _pad_rows(n)
    stage_rows = n // NS

    scratch = [
        pltpu.VMEM((chunks, 2, EB), jnp.int32),
        pltpu.VMEM((EB, dh2), jnp.float32),
        pltpu.VMEM((EB, dh2), jnp.float32),
        pltpu.VMEM_SHARED((npad, dh2), jnp.float32),
        pltpu.SemaphoreType.DMA,
        pltpu.SemaphoreType.DMA,
        pltpu.SemaphoreType.DMA,
        pltpu.SemaphoreType.DMA,
    ]
    if spmem_table:
        scratch.append(pltpu.VMEM_SHARED((n, dh2), jnp.float32))

    @functools.partial(
        pl.kernel,
        out_type=jax.ShapeDtypeStruct((NC, npad, dh2), jnp.float32),
        mesh=_mesh(),
        compiler_params=_sc_params(),
        scratch_types=scratch,
    )
    def mp_kernel(g_hbm_in, idx_hbm, zeros_hbm, out_hbm,
                  idxv, rows0, rows1, acc, gsem0, gsem1, ssem0, ssem1,
                  *maybe_tbl):
        c = lax.axis_index("c")
        s = lax.axis_index("s")

        if spmem_table:
            g_hbm = maybe_tbl[0]
            ci = 0
            pltpu.sync_copy(
                g_hbm_in.at[pl.ds(c * n + s * stage_rows, stage_rows)],
                g_hbm.at[pl.ds(s * stage_rows, stage_rows)])
        else:
            g_hbm = g_hbm_in
            ci = c

        pltpu.sync_copy(idx_hbm.at[ci, pl.ds(s * chunks, chunks)], idxv)
        sl = pl.ds(s * rows_per_tile, rows_per_tile)
        pltpu.sync_copy(zeros_hbm, acc.at[sl])
        plsc.subcore_barrier()

        bufs = ((rows0, gsem0, ssem0), (rows1, gsem1, ssem1))

        pltpu.make_async_copy(g_hbm.at[idxv.at[0, 0]], rows0, gsem0).start()

        @pl.loop(0, chunks, step=2)
        def _edges(i):
            for j in range(2):
                rb, gb, sb = bufs[j]
                ro, go, so = bufs[1 - j]
                k = i + j

                @pl.when(k >= 1)
                def _drain_other():
                    pltpu.make_async_copy(g_hbm_in.at[pl.ds(0, EB)], ro, so).wait()

                @pl.when(k + 1 < chunks)
                def _prefetch():
                    pltpu.make_async_copy(
                        g_hbm.at[idxv.at[k + 1, 0]], ro, go).start()

                pltpu.make_async_copy(g_hbm_in.at[pl.ds(0, EB)], rb, gb).wait()
                pltpu.async_copy(rb, acc.at[idxv.at[k, 1]], sb, add=True)

        pltpu.make_async_copy(
            g_hbm_in.at[pl.ds(0, EB)], bufs[(chunks - 1) % 2][0],
            bufs[(chunks - 1) % 2][2]).wait()

        plsc.subcore_barrier()
        pltpu.sync_copy(acc.at[sl], out_hbm.at[c, sl])

    return mp_kernel


_ROWS = 1000


def _m1_body(degp, x, w1, g1o, dinvo, *, dh2):
    deg = degp[0, :, 0:1] + degp[1, :, 0:1] + 1.0
    dinv = lax.rsqrt(deg)
    h = jnp.dot(x[...], w1[...], preferred_element_type=jnp.float32)
    g = h * dinv
    g1o[0] = g[:, :dh2]
    g1o[1] = g[:, dh2:]
    dinvo[...] = dinv


def _m2_body(p0, p1, g1a, g1b, dinv, b1, w2, g2o, *, dh2):
    a0 = p0[0] + g1a[0]
    a1 = p1[0] + g1b[0]
    a = jnp.concatenate([a0, a1], axis=1) * dinv[...] + b1[...]
    z = jnp.maximum(a, 0.0)
    h2 = jnp.dot(z, w2[...], preferred_element_type=jnp.float32)
    g = h2 * dinv[...]
    g2o[0] = g[:, :dh2]
    g2o[1] = g[:, dh2:]


def _fin_body(q0, q1, g2a, g2b, dinv, b2, outo, *, c):
    o0 = q0[0] + g2a[0]
    o1 = q1[0] + g2b[0]
    o = jnp.concatenate([o0, o1], axis=1) * dinv[...] + b2[...]
    mask = lax.broadcasted_iota(jnp.int32, o.shape, 1) < c
    om = jnp.where(mask, o, -jnp.inf)
    m = jnp.max(om, axis=1, keepdims=True)
    ex = jnp.where(mask, jnp.exp(o - m), 0.0)
    ssum = jnp.sum(ex, axis=1, keepdims=True)
    outo[...] = (o - m - jnp.log(ssum))[:, :c]


def _row_spec(cols):
    return pl.BlockSpec((_ROWS, cols), lambda i: (i, 0))


def _part_spec(core, cols):
    return pl.BlockSpec((1, _ROWS, cols), lambda i, _c=core: (_c, i, 0))


def _full_spec(r, cols):
    return pl.BlockSpec((r, cols), lambda i: (0, 0))


def kernel(x, edge_index, nodes, W1, b1, W2, b2):
    del nodes
    n, d = x.shape
    h = W1.shape[1]
    c = W2.shape[1]
    cpad = 64
    h2c = h // 2
    c2c = cpad // 2
    e = edge_index.shape[1]

    egrain = NS * EB * 2
    e2 = -(-e // egrain) * egrain
    src = jnp.pad(edge_index[0], (0, e2 - e))
    dst = jnp.pad(edge_index[1], (0, e2 - e), constant_values=n)

    npad, rows_per_tile = _pad_rows(n)
    grid = (n // _ROWS,)

    ones16 = jnp.ones((EB, 16), jnp.float32)
    zeros16 = jnp.zeros((rows_per_tile, 16), jnp.float32)
    zeros_h = jnp.zeros((rows_per_tile, h2c), jnp.float32)
    zeros_c = jnp.zeros((rows_per_tile, c2c), jnp.float32)

    src2 = jnp.stack([src, src + n])
    dstb = jnp.broadcast_to(dst, (2, e2))
    idx_mp = (jnp.stack([src2, dstb], axis=1)
              .reshape(2, 2, e2 // EB, EB)
              .transpose(0, 2, 1, 3))

    deg_parts = _make_deg(n, e2)(dst.reshape(e2 // EB, EB), ones16, zeros16)

    g1, dinv = pl.pallas_call(
        functools.partial(_m1_body, dh2=h2c),
        grid=grid,
        in_specs=[pl.BlockSpec((2, _ROWS, 16), lambda i: (0, i, 0)),
                  _row_spec(d), _full_spec(d, h)],
        out_specs=[pl.BlockSpec((2, _ROWS, h2c), lambda i: (0, i, 0)),
                   _row_spec(1)],
        out_shape=[
            jax.ShapeDtypeStruct((2, n, h2c), jnp.float32),
            jax.ShapeDtypeStruct((n, 1), jnp.float32),
        ],
    )(deg_parts, x, W1)

    p = _make_mp(n, e2, h2c)(g1.reshape(2 * n, h2c), idx_mp, zeros_h)

    w2p = jnp.pad(W2, ((0, 0), (0, cpad - c)))
    b1r = b1.reshape(1, h)
    g2 = pl.pallas_call(
        functools.partial(_m2_body, dh2=c2c),
        grid=grid,
        in_specs=[_part_spec(0, h2c), _part_spec(1, h2c),
                  pl.BlockSpec((1, _ROWS, h2c), lambda i: (0, i, 0)),
                  pl.BlockSpec((1, _ROWS, h2c), lambda i: (1, i, 0)),
                  _row_spec(1), _full_spec(1, h), _full_spec(h, cpad)],
        out_specs=pl.BlockSpec((2, _ROWS, c2c), lambda i: (0, i, 0)),
        out_shape=jax.ShapeDtypeStruct((2, n, c2c), jnp.float32),
    )(p, p, g1, g1, dinv, b1r, w2p)

    q = _make_mp(n, e2, c2c, spmem_table=True)(g2.reshape(2 * n, c2c), idx_mp, zeros_c)

    b2p = jnp.pad(b2, (0, cpad - c)).reshape(1, cpad)
    out = pl.pallas_call(
        functools.partial(_fin_body, c=c),
        grid=grid,
        in_specs=[_part_spec(0, c2c), _part_spec(1, c2c),
                  pl.BlockSpec((1, _ROWS, c2c), lambda i: (0, i, 0)),
                  pl.BlockSpec((1, _ROWS, c2c), lambda i: (1, i, 0)),
                  _row_spec(1), _full_spec(1, cpad)],
        out_specs=_row_spec(c),
        out_shape=jax.ShapeDtypeStruct((n, c), jnp.float32),
    )(q, q, g2, g2, dinv, b2p)
    return out

# --- scband reference (transcript-rebuilt; emitter-appended) ---
"""Pipeline reference for scband-wgcn-53919019434432 (READ-ONLY COPY).

The authoritative reference and input builder live on the scoring server;
editing this copy changes nothing except your own understanding.
"""

import jax, jax.numpy as jnp
import numpy as np

N = 10000
E = 320000
D = 128
H = 128
C = 40


def setup_inputs(seed: int = 0) -> dict:
    key = jax.random.key(seed)
    k1, k2, k3, k4, k5 = jax.random.split(key, 5)
    x = jax.random.normal(k1, (N, D), dtype=jnp.float32)
    edge_index = jax.random.randint(k2, (2, E), 0, N, dtype=jnp.int32)
    nodes = jax.random.randint(k5, (256,), 0, N, dtype=jnp.int32)
    # GCNConv glorot-style weights, zero bias (matches torch_geometric GCNConv init style)
    W1 = jax.random.normal(k3, (D, H), dtype=jnp.float32) * (1.0 / np.sqrt(D))
    b1 = jnp.zeros((H,), dtype=jnp.float32)
    W2 = jax.random.normal(k4, (H, C), dtype=jnp.float32) * (1.0 / np.sqrt(H))
    b2 = jnp.zeros((C,), dtype=jnp.float32)
    return {"x": x, "edge_index": edge_index, "nodes": nodes,
            "W1": W1, "b1": b1, "W2": W2, "b2": b2}


def _gcn_prep(edge_index, n, dtype):
    # add self loops and compute symmetric normalization D^-1/2 (A+I) D^-1/2
    loop = jnp.arange(n, dtype=edge_index.dtype)
    src = jnp.concatenate([edge_index[0], loop])
    dst = jnp.concatenate([edge_index[1], loop])
    deg = jnp.zeros((n,), dtype=dtype).at[dst].add(jnp.ones_like(src, dtype=dtype))
    dinv = jax.lax.rsqrt(deg)
    norm = dinv[src] * dinv[dst]
    return src, dst, norm


def _gcn_conv(x, src, dst, norm, W, b):
    h = x @ W
    msg = jnp.take(h, src, axis=0) * norm[:, None]
    out = jnp.zeros((x.shape[0], h.shape[1]), dtype=h.dtype).at[dst].add(msg)
    return out + b


def reference(x, edge_index, nodes, W1, b1, W2, b2):
    n = x.shape[0]
    src, dst, norm = _gcn_prep(edge_index, n, x.dtype)
    # WGCN.forward (nn_type == 'gcn'): GCNConv -> relu -> dropout(eval: identity) -> GCNConv -> log_softmax
    h = _gcn_conv(x, src, dst, norm, W1, b1)
    h = jax.nn.relu(h)
    h = _gcn_conv(h, src, dst, norm, W2, b2)
    return jax.nn.log_softmax(h, axis=1)

if __name__ == "__main__":
    import jax
    _d = setup_inputs()
    print(jax.jit(kernel)(*tuple(_d.values())))

</pallas_src>

<mosaic_0001>
#map = affine_map<(d0, d1) -> (0, 0)>
#map1 = affine_map<(d0, d1) -> (0, 0, 0)>
module attributes {stable_mosaic.version = 14 : i64} {
  func.func @deg_kernel(%arg0: i32, %arg1: i32, %arg2: memref<2528x128xi32, #tpu.memory_space<hbm>>, %arg3: memref<128x16xf32, #tpu.memory_space<hbm>>, %arg4: memref<632x16xf32, #tpu.memory_space<hbm>>, %arg5: memref<2x10112x16xf32, #tpu.memory_space<hbm>>, %arg6: memref<79x128xi32, #tpu.memory_space<vmem>>, %arg7: memref<128x16xf32, #tpu.memory_space<vmem>>, %arg8: memref<10112x16xf32, #tpu.memory_space<vmem_shared>>, %arg9: memref<!tpu.dma_semaphore, #tpu.memory_space<semaphore_mem>>) attributes {dimension_semantics = [#tpu.dimension_semantics<core_parallel>, #tpu.dimension_semantics<subcore_parallel>], iteration_bounds = array<i64: 2, 16>, scalar_prefetch = 0 : i64, scratch_operands = 4 : i64, tpu.core_type = #tpu.core_type<sc_vector_subcore>, window_params = [{transform_indices = #map}, {transform_indices = #map}, {transform_indices = #map}, {transform_indices = #map1}]} {
    %mul3A = arith.constant 16 : i32
    %mul3A_0 = arith.muli %arg0, %mul3A : i32
    %add3A = arith.addi %mul3A_0, %arg1 : i32
    %mul3A_1 = arith.constant 79 : i32
    %mul3A_2 = arith.muli %add3A, %mul3A_1 : i32
    "tpu.region"() ({
      %run_scoped3A = tpu.sem_alloc : memref<!tpu.dma_semaphore, #tpu.memory_space<semaphore_mem>>
      %dma_start3A = arith.constant 0 : i32
      %dma_start3A_15 = tpu.memref_slice %arg2[%mul3A_2, %dma_start3A] : memref<2528x128xi32, #tpu.memory_space<hbm>> -> memref<79x128xi32, #tpu.memory_space<hbm>>
      %dma_start3A_16 = arith.constant 0 : i32
      %dma_start3A_17 = tpu.memref_slice %arg2[%mul3A_2, %dma_start3A_16] : memref<2528x128xi32, #tpu.memory_space<hbm>> -> memref<79x128xi32, #tpu.memory_space<hbm>>
      tpu.enqueue_dma source(%dma_start3A_17 : memref<79x128xi32, #tpu.memory_space<hbm>>) target(%arg6 : memref<79x128xi32, #tpu.memory_space<vmem>>) target_semaphore(%run_scoped3A : memref<!tpu.dma_semaphore, #tpu.memory_space<semaphore_mem>>)
      %dma_wait3A = arith.constant 0 : i32
      %dma_wait3A_18 = tpu.memref_slice %arg2[%mul3A_2, %dma_wait3A] : memref<2528x128xi32, #tpu.memory_space<hbm>> -> memref<79x128xi32, #tpu.memory_space<hbm>>
      %dma_wait3A_19 = arith.constant 0 : i32
      %dma_wait3A_20 = tpu.memref_slice %arg2[%mul3A_2, %dma_wait3A_19] : memref<2528x128xi32, #tpu.memory_space<hbm>> -> memref<79x128xi32, #tpu.memory_space<hbm>>
      tpu.wait_dma2 semaphore(%run_scoped3A : memref<!tpu.dma_semaphore, #tpu.memory_space<semaphore_mem>>) src(%dma_wait3A_20 : memref<79x128xi32, #tpu.memory_space<hbm>>) dst(%arg6 : memref<79x128xi32, #tpu.memory_space<vmem>>)
      tpu.yield
    }) : () -> ()
    "tpu.region"() ({
      %run_scoped3A = tpu.sem_alloc : memref<!tpu.dma_semaphore, #tpu.memory_space<semaphore_mem>>
      tpu.enqueue_dma source(%arg3 : memref<128x16xf32, #tpu.memory_space<hbm>>) target(%arg7 : memref<128x16xf32, #tpu.memory_space<vmem>>) target_semaphore(%run_scoped3A : memref<!tpu.dma_semaphore, #tpu.memory_space<semaphore_mem>>)
      tpu.wait_dma2 semaphore(%run_scoped3A : memref<!tpu.dma_semaphore, #tpu.memory_space<semaphore_mem>>) src(%arg3 : memref<128x16xf32, #tpu.memory_space<hbm>>) dst(%arg7 : memref<128x16xf32, #tpu.memory_space<vmem>>)
      tpu.yield
    }) : () -> ()
    %mul3A_3 = arith.constant 632 : i32
    %mul3A_4 = arith.muli %arg1, %mul3A_3 : i32
    "tpu.region"() ({
      %run_scoped3A = tpu.sem_alloc : memref<!tpu.dma_semaphore, #tpu.memory_space<semaphore_mem>>
      %dma_start3A = arith.constant 0 : i32
      %dma_start3A_15 = tpu.memref_slice %arg8[%mul3A_4, %dma_start3A] : memref<10112x16xf32, #tpu.memory_space<vmem_shared>> -> memref<632x16xf32, #tpu.memory_space<vmem_shared>>
      tpu.enqueue_dma source(%arg4 : memref<632x16xf32, #tpu.memory_space<hbm>>) target(%dma_start3A_15 : memref<632x16xf32, #tpu.memory_space<vmem_shared>>) target_semaphore(%run_scoped3A : memref<!tpu.dma_semaphore, #tpu.memory_space<semaphore_mem>>)
      %dma_wait3A = arith.constant 0 : i32
      %dma_wait3A_16 = tpu.memref_slice %arg8[%mul3A_4, %dma_wait3A] : memref<10112x16xf32, #tpu.memory_space<vmem_shared>> -> memref<632x16xf32, #tpu.memory_space<vmem_shared>>
      tpu.wait_dma2 semaphore(%run_scoped3A : memref<!tpu.dma_semaphore, #tpu.memory_space<semaphore_mem>>) src(%arg4 : memref<632x16xf32, #tpu.memory_space<hbm>>) dst(%dma_wait3A_16 : memref<632x16xf32, #tpu.memory_space<vmem_shared>>)
      tpu.yield
    }) : () -> ()
    %barrier3A = arith.constant 0 : index
    tpu.barrier barrier_id(%barrier3A)
    %scan3A = arith.constant 0 : i32
    %scan3A_5 = arith.constant 79 : i32
    %scan3A_6 = arith.addi %scan3A, %scan3A_5 : i32
    %scan3A_7 = arith.constant 1 : i32
    scf.for %scan3A_15 = %scan3A to %scan3A_6 step %scan3A_7  : i32 {
      %mul3A_16 = arith.constant 1 : i32
      %mul3A_17 = arith.muli %scan3A_15, %mul3A_16 : i32
      %add3A_18 = arith.constant 0 : i32
      %add3A_19 = arith.addi %add3A_18, %mul3A_17 : i32
      %dma_start3A = arith.constant 0 : i32
      %dma_start3A_20 = tpu.memref_slice %arg6[%add3A_19, %dma_start3A] : memref<79x128xi32, #tpu.memory_space<vmem>> -> memref<1x128xi32, #tpu.memory_space<vmem>>
      %dma_start3A_21 = tpu.memref_squeeze %dma_start3A_20 : memref<1x128xi32, #tpu.memory_space<vmem>> -> memref<128xi32, #tpu.memory_space<vmem>>
      %dma_start3A_22 = arith.constant 0 : i32
      %dma_start3A_23 = arith.constant 0 : i32
      %dma_start3A_24 = tpu.memref_slice %arg8[%dma_start3A_22, %dma_start3A_23] : memref<10112x16xf32, #tpu.memory_space<vmem_shared>> -> memref<10112x16xf32, #tpu.memory_space<vmem_shared>>
      tpu.enqueue_indirect_dma source(%arg7 : memref<128x16xf32, #tpu.memory_space<vmem>>) target(%dma_start3A_24 : memref<10112x16xf32, #tpu.memory_space<vmem_shared>>) offsets(%dma_start3A_21 : memref<128xi32, #tpu.memory_space<vmem>>) semaphore(%arg9 : memref<!tpu.dma_semaphore, #tpu.memory_space<semaphore_mem>>) {add = true}
    }
    %scan3A_8 = arith.constant 79 : i32
    %scan3A_9 = arith.constant 0 : i32
    %scan3A_10 = arith.constant 79 : i32
    %scan3A_11 = arith.addi %scan3A_9, %scan3A_10 : i32
    %scan3A_12 = arith.constant 1 : i32
    scf.for %scan3A_15 = %scan3A_9 to %scan3A_11 step %scan3A_12  : i32 {
      %mul3A_16 = arith.constant 1 : i32
      %mul3A_17 = arith.muli %scan3A_15, %mul3A_16 : i32
      %add3A_18 = arith.constant 0 : i32
      %add3A_19 = arith.addi %add3A_18, %mul3A_17 : i32
      tpu.wait_dma2 semaphore(%arg9 : memref<!tpu.dma_semaphore, #tpu.memory_space<semaphore_mem>>) src(%arg3 : memref<128x16xf32, #tpu.memory_space<hbm>>) dst(%arg7 : memref<128x16xf32, #tpu.memory_space<vmem>>)
    }
    %scan3A_13 = arith.constant 79 : i32
    %barrier3A_14 = arith.constant 0 : index
    tpu.barrier barrier_id(%barrier3A_14)
    "tpu.region"() ({
      %run_scoped3A = tpu.sem_alloc : memref<!tpu.dma_semaphore, #tpu.memory_space<semaphore_mem>>
      %dma_start3A = arith.constant 0 : i32
      %dma_start3A_15 = tpu.memref_slice %arg5[%arg0, %mul3A_4, %dma_start3A] : memref<2x10112x16xf32, #tpu.memory_space<hbm>> -> memref<1x632x16xf32, #tpu.memory_space<hbm>>
      %dma_start3A_16 = tpu.memref_squeeze %dma_start3A_15 : memref<1x632x16xf32, #tpu.memory_space<hbm>> -> memref<632x16xf32, #tpu.memory_space<hbm>>
      %dma_start3A_17 = arith.constant 0 : i32
      %dma_start3A_18 = tpu.memref_slice %arg8[%mul3A_4, %dma_start3A_17] : memref<10112x16xf32, #tpu.memory_space<vmem_shared>> -> memref<632x16xf32, #tpu.memory_space<vmem_shared>>
      tpu.enqueue_dma source(%dma_start3A_18 : memref<632x16xf32, #tpu.memory_space<vmem_shared>>) target(%dma_start3A_16 : memref<632x16xf32, #tpu.memory_space<hbm>>) target_semaphore(%run_scoped3A : memref<!tpu.dma_semaphore, #tpu.memory_space<semaphore_mem>>)
      %dma_wait3A = arith.constant 0 : i32
      %dma_wait3A_19 = tpu.memref_slice %arg5[%arg0, %mul3A_4, %dma_wait3A] : memref<2x10112x16xf32, #tpu.memory_space<hbm>> -> memref<1x632x16xf32, #tpu.memory_space<hbm>>
      %dma_wait3A_20 = tpu.memref_squeeze %dma_wait3A_19 : memref<1x632x16xf32, #tpu.memory_space<hbm>> -> memref<632x16xf32, #tpu.memory_space<hbm>>
      %dma_wait3A_21 = arith.constant 0 : i32
      %dma_wait3A_22 = tpu.memref_slice %arg8[%mul3A_4, %dma_wait3A_21] : memref<10112x16xf32, #tpu.memory_space<vmem_shared>> -> memref<632x16xf32, #tpu.memory_space<vmem_shared>>
      tpu.wait_dma2 semaphore(%run_scoped3A : memref<!tpu.dma_semaphore, #tpu.memory_space<semaphore_mem>>) src(%dma_wait3A_22 : memref<632x16xf32, #tpu.memory_space<vmem_shared>>) dst(%dma_wait3A_20 : memref<632x16xf32, #tpu.memory_space<hbm>>)
      tpu.yield
    }) : () -> ()
    return
  }
}

#map = affine_map<(d0, d1) -> (0, 0)>
#map1 = affine_map<(d0, d1) -> (0, 0, 0, 0)>
#map2 = affine_map<(d0, d1) -> (0, 0, 0)>
module attributes {stable_mosaic.version = 14 : i64} {
  func.func @mp_kernel(%arg0: i32, %arg1: i32, %arg2: memref<20000x64xf32, #tpu.memory_space<hbm>>, %arg3: memref<2x2528x2x128xi32, #tpu.memory_space<hbm>>, %arg4: memref<632x64xf32, #tpu.memory_space<hbm>>, %arg5: memref<2x10112x64xf32, #tpu.memory_space<hbm>>, %arg6: memref<158x2x128xi32, #tpu.memory_space<vmem>>, %arg7: memref<128x64xf32, #tpu.memory_space<vmem>>, %arg8: memref<128x64xf32, #tpu.memory_space<vmem>>, %arg9: memref<10112x64xf32, #tpu.memory_space<vmem_shared>>, %arg10: memref<!tpu.dma_semaphore, #tpu.memory_space<semaphore_mem>>, %arg11: memref<!tpu.dma_semaphore, #tpu.memory_space<semaphore_mem>>, %arg12: memref<!tpu.dma_semaphore, #tpu.memory_space<semaphore_mem>>, %arg13: memref<!tpu.dma_semaphore, #tpu.memory_space<semaphore_mem>>) attributes {dimension_semantics = [#tpu.dimension_semantics<core_parallel>, #tpu.dimension_semantics<subcore_parallel>], iteration_bounds = array<i64: 2, 16>, scalar_prefetch = 0 : i64, scratch_operands = 8 : i64, tpu.core_type = #tpu.core_type<sc_vector_subcore>, window_params = [{transform_indices = #map}, {transform_indices = #map1}, {transform_indices = #map}, {transform_indices = #map2}]} {
    %mul3A = arith.constant 158 : i32
    %mul3A_0 = arith.muli %arg1, %mul3A : i32
    "tpu.region"() ({
      %run_scoped3A = tpu.sem_alloc : memref<!tpu.dma_semaphore, #tpu.memory_space<semaphore_mem>>
      %dma_start3A_20 = arith.constant 0 : i32
      %dma_start3A_21 = arith.constant 0 : i32
      %dma_start3A_22 = tpu.memref_slice %arg3[%arg0, %mul3A_0, %dma_start3A_20, %dma_start3A_21] : memref<2x2528x2x128xi32, #tpu.memory_space<hbm>> -> memref<1x158x2x128xi32, #tpu.memory_space<hbm>>
      %dma_start3A_23 = tpu.memref_squeeze %dma_start3A_22 : memref<1x158x2x128xi32, #tpu.memory_space<hbm>> -> memref<158x2x128xi32, #tpu.memory_space<hbm>>
      %dma_start3A_24 = arith.constant 0 : i32
      %dma_start3A_25 = arith.constant 0 : i32
      %dma_start3A_26 = tpu.memref_slice %arg3[%arg0, %mul3A_0, %dma_start3A_24, %dma_start3A_25] : memref<2x2528x2x128xi32, #tpu.memory_space<hbm>> -> memref<1x158x2x128xi32, #tpu.memory_space<hbm>>
      %dma_start3A_27 = tpu.memref_squeeze %dma_start3A_26 : memref<1x158x2x128xi32, #tpu.memory_space<hbm>> -> memref<158x2x128xi32, #tpu.memory_space<hbm>>
      tpu.enqueue_dma source(%dma_start3A_27 : memref<158x2x128xi32, #tpu.memory_space<hbm>>) target(%arg6 : memref<158x2x128xi32, #tpu.memory_space<vmem>>) target_semaphore(%run_scoped3A : memref<!tpu.dma_semaphore, #tpu.memory_space<semaphore_mem>>)
      %dma_wait3A_28 = arith.constant 0 : i32
      %dma_wait3A_29 = arith.constant 0 : i32
      %dma_wait3A_30 = tpu.memref_slice %arg3[%arg0, %mul3A_0, %dma_wait3A_28, %dma_wait3A_29] : memref<2x2528x2x128xi32, #tpu.memory_space<hbm>> -> memref<1x158x2x128xi32, #tpu.memory_space<hbm>>
      %dma_wait3A_31 = tpu.memref_squeeze %dma_wait3A_30 : memref<1x158x2x128xi32, #tpu.memory_space<hbm>> -> memref<158x2x128xi32, #tpu.memory_space<hbm>>
      %dma_wait3A_32 = arith.constant 0 : i32
      %dma_wait3A_33 = arith.constant 0 : i32
      %dma_wait3A_34 = tpu.memref_slice %arg3[%arg0, %mul3A_0, %dma_wait3A_32, %dma_wait3A_33] : memref<2x2528x2x128xi32, #tpu.memory_space<hbm>> -> memref<1x158x2x128xi32, #tpu.memory_space<hbm>>
      %dma_wait3A_35 = tpu.memref_squeeze %dma_wait3A_34 : memref<1x158x2x128xi32, #tpu.memory_space<hbm>> -> memref<158x2x128xi32, #tpu.memory_space<hbm>>
      tpu.wait_dma2 semaphore(%run_scoped3A : memref<!tpu.dma_semaphore, #tpu.memory_space<semaphore_mem>>) src(%dma_wait3A_35 : memref<158x2x128xi32, #tpu.memory_space<hbm>>) dst(%arg6 : memref<158x2x128xi32, #tpu.memory_space<vmem>>)
      tpu.yield
    }) : () -> ()
    %mul3A_1 = arith.constant 632 : i32
    %mul3A_2 = arith.muli %arg1, %mul3A_1 : i32
    "tpu.region"() ({
      %run_scoped3A = tpu.sem_alloc : memref<!tpu.dma_semaphore, #tpu.memory_space<semaphore_mem>>
      %dma_start3A_20 = arith.constant 0 : i32
      %dma_start3A_21 = tpu.memref_slice %arg9[%mul3A_2, %dma_start3A_20] : memref<10112x64xf32, #tpu.memory_space<vmem_shared>> -> memref<632x64xf32, #tpu.memory_space<vmem_shared>>
      tpu.enqueue_dma source(%arg4 : memref<632x64xf32, #tpu.memory_space<hbm>>) target(%dma_start3A_21 : memref<632x64xf32, #tpu.memory_space<vmem_shared>>) target_semaphore(%run_scoped3A : memref<!tpu.dma_semaphore, #tpu.memory_space<semaphore_mem>>)
      %dma_wait3A_22 = arith.constant 0 : i32
      %dma_wait3A_23 = tpu.memref_slice %arg9[%mul3A_2, %dma_wait3A_22] : memref<10112x64xf32, #tpu.memory_space<vmem_shared>> -> memref<632x64xf32, #tpu.memory_space<vmem_shared>>
      tpu.wait_dma2 semaphore(%run_scoped3A : memref<!tpu.dma_semaphore, #tpu.memory_space<semaphore_mem>>) src(%arg4 : memref<632x64xf32, #tpu.memory_space<hbm>>) dst(%dma_wait3A_23 : memref<632x64xf32, #tpu.memory_space<vmem_shared>>)
      tpu.yield
    }) : () -> ()
    %barrier3A = arith.constant 0 : index
    tpu.barrier barrier_id(%barrier3A)
    %dma_start3A = arith.constant 0 : i32
    %dma_start3A_3 = arith.constant 0 : i32
    %dma_start3A_4 = arith.constant 0 : i32
    %dma_start3A_5 = tpu.memref_slice %arg6[%dma_start3A, %dma_start3A_3, %dma_start3A_4] : memref<158x2x128xi32, #tpu.memory_space<vmem>> -> memref<1x1x128xi32, #tpu.memory_space<vmem>>
    %dma_start3A_6 = tpu.memref_squeeze %dma_start3A_5 : memref<1x1x128xi32, #tpu.memory_space<vmem>> -> memref<128xi32, #tpu.memory_space<vmem>>
    %dma_start3A_7 = arith.constant 0 : i32
    %dma_start3A_8 = arith.constant 0 : i32
    %dma_start3A_9 = tpu.memref_slice %arg2[%dma_start3A_7, %dma_start3A_8] : memref<20000x64xf32, #tpu.memory_space<hbm>> -> memref<20000x64xf32, #tpu.memory_space<hbm>>
    tpu.enqueue_indirect_dma source(%dma_start3A_9 : memref<20000x64xf32, #tpu.memory_space<hbm>>) target(%arg7 : memref<128x64xf32, #tpu.memory_space<vmem>>) offsets(%dma_start3A_6 : memref<128xi32, #tpu.memory_space<vmem>>) semaphore(%arg10 : memref<!tpu.dma_semaphore, #tpu.memory_space<semaphore_mem>>)
    %scan3A = arith.constant 0 : i32
    %scan3A_10 = arith.constant 79 : i32
    %scan3A_11 = arith.addi %scan3A, %scan3A_10 : i32
    %scan3A_12 = arith.constant 1 : i32
    scf.for %scan3A_20 = %scan3A to %scan3A_11 step %scan3A_12  : i32 {
      %mul3A_21 = arith.constant 2 : i32
      %mul3A_22 = arith.muli %scan3A_20, %mul3A_21 : i32
      %add3A = arith.constant 0 : i32
      %add3A_23 = arith.addi %add3A, %mul3A_22 : i32
      %add3A_24 = arith.constant 0 : i32
      %add3A_25 = arith.addi %add3A_23, %add3A_24 : i32
      %ge3A = arith.constant 1 : i32
      %ge3A_26 = arith.cmpi sge, %add3A_25, %ge3A : i32
      %convert_element_type3A = arith.extui %ge3A_26 : i1 to i32
      %cond3A = arith.constant 0 : i32
      %cond3A_27 = arith.cmpi ne, %convert_element_type3A, %cond3A : i32
      scf.if %cond3A_27 {
        %dma_wait3A_74 = arith.constant 0 : i32
        %dma_wait3A_75 = arith.constant 0 : i32
        %dma_wait3A_76 = tpu.memref_slice %arg2[%dma_wait3A_74, %dma_wait3A_75] : memref<20000x64xf32, #tpu.memory_space<hbm>> -> memref<128x64xf32, #tpu.memory_space<hbm>>
        %dma_wait3A_77 = arith.constant 0 : i32
        %dma_wait3A_78 = arith.constant 0 : i32
        %dma_wait3A_79 = tpu.memref_slice %arg2[%dma_wait3A_77, %dma_wait3A_78] : memref<20000x64xf32, #tpu.memory_space<hbm>> -> memref<128x64xf32, #tpu.memory_space<hbm>>
        tpu.wait_dma2 semaphore(%arg13 : memref<!tpu.dma_semaphore, #tpu.memory_space<semaphore_mem>>) src(%dma_wait3A_79 : memref<128x64xf32, #tpu.memory_space<hbm>>) dst(%arg8 : memref<128x64xf32, #tpu.memory_space<vmem>>)
      } else {
      }
      %add3A_28 = arith.constant 1 : i32
      %add3A_29 = arith.addi %add3A_25, %add3A_28 : i32
      %lt3A = arith.constant 158 : i32
      %lt3A_30 = arith.cmpi slt, %add3A_29, %lt3A : i32
      %convert_element_type3A_31 = arith.extui %lt3A_30 : i1 to i32
      %cond3A_32 = arith.constant 0 : i32
      %cond3A_33 = arith.cmpi ne, %convert_element_type3A_31, %cond3A_32 : i32
      scf.if %cond3A_33 {
        %add3A_74 = arith.constant 1 : i32
        %add3A_75 = arith.addi %add3A_25, %add3A_74 : i32
        %dma_start3A_76 = arith.constant 0 : i32
        %dma_start3A_77 = arith.constant 0 : i32
        %dma_start3A_78 = tpu.memref_slice %arg6[%add3A_75, %dma_start3A_76, %dma_start3A_77] : memref<158x2x128xi32, #tpu.memory_space<vmem>> -> memref<1x1x128xi32, #tpu.memory_space<vmem>>
        %dma_start3A_79 = tpu.memref_squeeze %dma_start3A_78 : memref<1x1x128xi32, #tpu.memory_space<vmem>> -> memref<128xi32, #tpu.memory_space<vmem>>
        %dma_start3A_80 = arith.constant 0 : i32
        %dma_start3A_81 = arith.constant 0 : i32
        %dma_start3A_82 = tpu.memref_slice %arg2[%dma_start3A_80, %dma_start3A_81] : memref<20000x64xf32, #tpu.memory_space<hbm>> -> memref<20000x64xf32, #tpu.memory_space<hbm>>
        tpu.enqueue_indirect_dma source(%dma_start3A_82 : memref<20000x64xf32, #tpu.memory_space<hbm>>) target(%arg8 : memref<128x64xf32, #tpu.memory_space<vmem>>) offsets(%dma_start3A_79 : memref<128xi32, #tpu.memory_space<vmem>>) semaphore(%arg11 : memref<!tpu.dma_semaphore, #tpu.memory_space<semaphore_mem>>)
      } else {
      }
      %dma_wait3A_34 = arith.constant 0 : i32
      %dma_wait3A_35 = arith.constant 0 : i32
      %dma_wait3A_36 = tpu.memref_slice %arg2[%dma_wait3A_34, %dma_wait3A_35] : memref<20000x64xf32, #tpu.memory_space<hbm>> -> memref<128x64xf32, #tpu.memory_space<hbm>>
      %dma_wait3A_37 = arith.constant 0 : i32
      %dma_wait3A_38 = arith.constant 0 : i32
      %dma_wait3A_39 = tpu.memref_slice %arg2[%dma_wait3A_37, %dma_wait3A_38] : memref<20000x64xf32, #tpu.memory_space<hbm>> -> memref<128x64xf32, #tpu.memory_space<hbm>>
      tpu.wait_dma2 semaphore(%arg10 : memref<!tpu.dma_semaphore, #tpu.memory_space<semaphore_mem>>) src(%dma_wait3A_39 : memref<128x64xf32, #tpu.memory_space<hbm>>) dst(%arg7 : memref<128x64xf32, #tpu.memory_space<vmem>>)
      %dma_start3A_40 = arith.constant 1 : i32
      %dma_start3A_41 = arith.constant 0 : i32
      %dma_start3A_42 = tpu.memref_slice %arg6[%add3A_25, %dma_start3A_40, %dma_start3A_41] : memref<158x2x128xi32, #tpu.memory_space<vmem>> -> memref<1x1x128xi32, #tpu.memory_space<vmem>>
      %dma_start3A_43 = tpu.memref_squeeze %dma_start3A_42 : memref<1x1x128xi32, #tpu.memory_space<vmem>> -> memref<128xi32, #tpu.memory_space<vmem>>
      %dma_start3A_44 = arith.constant 0 : i32
      %dma_start3A_45 = arith.constant 0 : i32
      %dma_start3A_46 = tpu.memref_slice %arg9[%dma_start3A_44, %dma_start3A_45] : memref<10112x64xf32, #tpu.memory_space<vmem_shared>> -> memref<10112x64xf32, #tpu.memory_space<vmem_shared>>
      tpu.enqueue_indirect_dma source(%arg7 : memref<128x64xf32, #tpu.memory_space<vmem>>) target(%dma_start3A_46 : memref<10112x64xf32, #tpu.memory_space<vmem_shared>>) offsets(%dma_start3A_43 : memref<128xi32, #tpu.memory_space<vmem>>) semaphore(%arg12 : memref<!tpu.dma_semaphore, #tpu.memory_space<semaphore_mem>>) {add = true}
      %add3A_47 = arith.constant 1 : i32
      %add3A_48 = arith.addi %add3A_23, %add3A_47 : i32
      %ge3A_49 = arith.constant 1 : i32
      %ge3A_50 = arith.cmpi sge, %add3A_48, %ge3A_49 : i32
      %convert_element_type3A_51 = arith.extui %ge3A_50 : i1 to i32
      %cond3A_52 = arith.constant 0 : i32
      %cond3A_53 = arith.cmpi ne, %convert_element_type3A_51, %cond3A_52 : i32
      scf.if %cond3A_53 {
        %dma_wait3A_74 = arith.constant 0 : i32
        %dma_wait3A_75 = arith.constant 0 : i32
        %dma_wait3A_76 = tpu.memref_slice %arg2[%dma_wait3A_74, %dma_wait3A_75] : memref<20000x64xf32, #tpu.memory_space<hbm>> -> memref<128x64xf32, #tpu.memory_space<hbm>>
        %dma_wait3A_77 = arith.constant 0 : i32
        %dma_wait3A_78 = arith.constant 0 : i32
        %dma_wait3A_79 = tpu.memref_slice %arg2[%dma_wait3A_77, %dma_wait3A_78] : memref<20000x64xf32, #tpu.memory_space<hbm>> -> memref<128x64xf32, #tpu.memory_space<hbm>>
        tpu.wait_dma2 semaphore(%arg12 : memref<!tpu.dma_semaphore, #tpu.memory_space<semaphore_mem>>) src(%dma_wait3A_79 : memref<128x64xf32, #tpu.memory_space<hbm>>) dst(%arg7 : memref<128x64xf32, #tpu.memory_space<vmem>>)
      } else {
      }
      %add3A_54 = arith.constant 1 : i32
      %add3A_55 = arith.addi %add3A_48, %add3A_54 : i32
      %lt3A_56 = arith.constant 158 : i32
      %lt3A_57 = arith.cmpi slt, %add3A_55, %lt3A_56 : i32
      %convert_element_type3A_58 = arith.extui %lt3A_57 : i1 to i32
      %cond3A_59 = arith.constant 0 : i32
      %cond3A_60 = arith.cmpi ne, %convert_element_type3A_58, %cond3A_59 : i32
      scf.if %cond3A_60 {
        %add3A_74 = arith.constant 1 : i32
        %add3A_75 = arith.addi %add3A_48, %add3A_74 : i32
        %dma_start3A_76 = arith.constant 0 : i32
        %dma_start3A_77 = arith.constant 0 : i32
        %dma_start3A_78 = tpu.memref_slice %arg6[%add3A_75, %dma_start3A_76, %dma_start3A_77] : memref<158x2x128xi32, #tpu.memory_space<vmem>> -> memref<1x1x128xi32, #tpu.memory_space<vmem>>
        %dma_start3A_79 = tpu.memref_squeeze %dma_start3A_78 : memref<1x1x128xi32, #tpu.memory_space<vmem>> -> memref<128xi32, #tpu.memory_space<vmem>>
        %dma_start3A_80 = arith.constant 0 : i32
        %dma_start3A_81 = arith.constant 0 : i32
        %dma_start3A_82 = tpu.memref_slice %arg2[%dma_start3A_80, %dma_start3A_81] : memref<20000x64xf32, #tpu.memory_space<hbm>> -> memref<20000x64xf32, #tpu.memory_space<hbm>>
        tpu.enqueue_indirect_dma source(%dma_start3A_82 : memref<20000x64xf32, #tpu.memory_space<hbm>>) target(%arg7 : memref<128x64xf32, #tpu.memory_space<vmem>>) offsets(%dma_start3A_79 : memref<128xi32, #tpu.memory_space<vmem>>) semaphore(%arg10 : memref<!tpu.dma_semaphore, #tpu.memory_space<semaphore_mem>>)
      } else {
      }
      %dma_wait3A_61 = arith.constant 0 : i32
      %dma_wait3A_62 = arith.constant 0 : i32
      %dma_wait3A_63 = tpu.memref_slice %arg2[%dma_wait3A_61, %dma_wait3A_62] : memref<20000x64xf32, #tpu.memory_space<hbm>> -> memref<128x64xf32, #tpu.memory_space<hbm>>
      %dma_wait3A_64 = arith.constant 0 : i32
      %dma_wait3A_65 = arith.constant 0 : i32
      %dma_wait3A_66 = tpu.memref_slice %arg2[%dma_wait3A_64, %dma_wait3A_65] : memref<20000x64xf32, #tpu.memory_space<hbm>> -> memref<128x64xf32, #tpu.memory_space<hbm>>
      tpu.wait_dma2 semaphore(%arg11 : memref<!tpu.dma_semaphore, #tpu.memory_space<semaphore_mem>>) src(%dma_wait3A_66 : memref<128x64xf32, #tpu.memory_space<hbm>>) dst(%arg8 : memref<128x64xf32, #tpu.memory_space<vmem>>)
      %dma_start3A_67 = arith.constant 1 : i32
      %dma_start3A_68 = arith.constant 0 : i32
      %dma_start3A_69 = tpu.memref_slice %arg6[%add3A_48, %dma_start3A_67, %dma_start3A_68] : memref<158x2x128xi32, #tpu.memory_space<vmem>> -> memref<1x1x128xi32, #tpu.memory_space<vmem>>
      %dma_start3A_70 = tpu.memref_squeeze %dma_start3A_69 : memref<1x1x128xi32, #tpu.memory_space<vmem>> -> memref<128xi32, #tpu.memory_space<vmem>>
      %dma_start3A_71 = arith.constant 0 : i32
      %dma_start3A_72 = arith.constant 0 : i32
      %dma_start3A_73 = tpu.memref_slice %arg9[%dma_start3A_71, %dma_start3A_72] : memref<10112x64xf32, #tpu.memory_space<vmem_shared>> -> memref<10112x64xf32, #tpu.memory_space<vmem_shared>>
      tpu.enqueue_indirect_dma source(%arg8 : memref<128x64xf32, #tpu.memory_space<vmem>>) target(%dma_start3A_73 : memref<10112x64xf32, #tpu.memory_space<vmem_shared>>) offsets(%dma_start3A_70 : memref<128xi32, #tpu.memory_space<vmem>>) semaphore(%arg13 : memref<!tpu.dma_semaphore, #tpu.memory_space<semaphore_mem>>) {add = true}
    }
    %scan3A_13 = arith.constant 79 : i32
    %dma_wait3A = arith.constant 0 : i32
    %dma_wait3A_14 = arith.constant 0 : i32
    %dma_wait3A_15 = tpu.memref_slice %arg2[%dma_wait3A, %dma_wait3A_14] : memref<20000x64xf32, #tpu.memory_space<hbm>> -> memref<128x64xf32, #tpu.memory_space<hbm>>
    %dma_wait3A_16 = arith.constant 0 : i32
    %dma_wait3A_17 = arith.constant 0 : i32
    %dma_wait3A_18 = tpu.memref_slice %arg2[%dma_wait3A_16, %dma_wait3A_17] : memref<20000x64xf32, #tpu.memory_space<hbm>> -> memref<128x64xf32, #tpu.memory_space<hbm>>
    tpu.wait_dma2 semaphore(%arg13 : memref<!tpu.dma_semaphore, #tpu.memory_space<semaphore_mem>>) src(%dma_wait3A_18 : memref<128x64xf32, #tpu.memory_space<hbm>>) dst(%arg8 : memref<128x64xf32, #tpu.memory_space<vmem>>)
    %barrier3A_19 = arith.constant 0 : index
    tpu.barrier barrier_id(%barrier3A_19)
    "tpu.region"() ({
      %run_scoped3A = tpu.sem_alloc : memref<!tpu.dma_semaphore, #tpu.memory_space<semaphore_mem>>
      %dma_start3A_20 = arith.constant 0 : i32
      %dma_start3A_21 = tpu.memref_slice %arg5[%arg0, %mul3A_2, %dma_start3A_20] : memref<2x10112x64xf32, #tpu.memory_space<hbm>> -> memref<1x632x64xf32, #tpu.memory_space<hbm>>
      %dma_start3A_22 = tpu.memref_squeeze %dma_start3A_21 : memref<1x632x64xf32, #tpu.memory_space<hbm>> -> memref<632x64xf32, #tpu.memory_space<hbm>>
      %dma_start3A_23 = arith.constant 0 : i32
      %dma_start3A_24 = tpu.memref_slice %arg9[%mul3A_2, %dma_start3A_23] : memref<10112x64xf32, #tpu.memory_space<vmem_shared>> -> memref<632x64xf32, #tpu.memory_space<vmem_shared>>
      tpu.enqueue_dma source(%dma_start3A_24 : memref<632x64xf32, #tpu.memory_space<vmem_shared>>) target(%dma_start3A_22 : memref<632x64xf32, #tpu.memory_space<hbm>>) target_semaphore(%run_scoped3A : memref<!tpu.dma_semaphore, #tpu.memory_space<semaphore_mem>>)
      %dma_wait3A_25 = arith.constant 0 : i32
      %dma_wait3A_26 = tpu.memref_slice %arg5[%arg0, %mul3A_2, %dma_wait3A_25] : memref<2x10112x64xf32, #tpu.memory_space<hbm>> -> memref<1x632x64xf32, #tpu.memory_space<hbm>>
      %dma_wait3A_27 = tpu.memref_squeeze %dma_wait3A_26 : memref<1x632x64xf32, #tpu.memory_space<hbm>> -> memref<632x64xf32, #tpu.memory_space<hbm>>
      %dma_wait3A_28 = arith.constant 0 : i32
      %dma_wait3A_29 = tpu.memref_slice %arg9[%mul3A_2, %dma_wait3A_28] : memref<10112x64xf32, #tpu.memory_space<vmem_shared>> -> memref<632x64xf32, #tpu.memory_space<vmem_shared>>
      tpu.wait_dma2 semaphore(%run_scoped3A : memref<!tpu.dma_semaphore, #tpu.memory_space<semaphore_mem>>) src(%dma_wait3A_29 : memref<632x64xf32, #tpu.memory_space<vmem_shared>>) dst(%dma_wait3A_27 : memref<632x64xf32, #tpu.memory_space<hbm>>)
      tpu.yield
    }) : () -> ()
    return
  }
}

#map = affine_map<(d0, d1) -> (0, 0)>
#map1 = affine_map<(d0, d1) -> (0, 0, 0, 0)>
#map2 = affine_map<(d0, d1) -> (0, 0, 0)>
module attributes {stable_mosaic.version = 14 : i64} {
  func.func @mp_kernel(%arg0: i32, %arg1: i32, %arg2: memref<20000x32xf32, #tpu.memory_space<hbm>>, %arg3: memref<2x2528x2x128xi32, #tpu.memory_space<hbm>>, %arg4: memref<632x32xf32, #tpu.memory_space<hbm>>, %arg5: memref<2x10112x32xf32, #tpu.memory_space<hbm>>, %arg6: memref<158x2x128xi32, #tpu.memory_space<vmem>>, %arg7: memref<128x32xf32, #tpu.memory_space<vmem>>, %arg8: memref<128x32xf32, #tpu.memory_space<vmem>>, %arg9: memref<10112x32xf32, #tpu.memory_space<vmem_shared>>, %arg10: memref<!tpu.dma_semaphore, #tpu.memory_space<semaphore_mem>>, %arg11: memref<!tpu.dma_semaphore, #tpu.memory_space<semaphore_mem>>, %arg12: memref<!tpu.dma_semaphore, #tpu.memory_space<semaphore_mem>>, %arg13: memref<!tpu.dma_semaphore, #tpu.memory_space<semaphore_mem>>, %arg14: memref<10000x32xf32, #tpu.memory_space<vmem_shared>>) attributes {dimension_semantics = [#tpu.dimension_semantics<core_parallel>, #tpu.dimension_semantics<subcore_parallel>], iteration_bounds = array<i64: 2, 16>, scalar_prefetch = 0 : i64, scratch_operands = 9 : i64, tpu.core_type = #tpu.core_type<sc_vector_subcore>, window_params = [{transform_indices = #map}, {transform_indices = #map1}, {transform_indices = #map}, {transform_indices = #map2}]} {
    %mul3A = arith.constant 10000 : i32
    %mul3A_0 = arith.muli %arg0, %mul3A : i32
    %mul3A_1 = arith.constant 625 : i32
    %mul3A_2 = arith.muli %arg1, %mul3A_1 : i32
    %add3A = arith.addi %mul3A_0, %mul3A_2 : i32
    %mul3A_3 = arith.constant 625 : i32
    %mul3A_4 = arith.muli %arg1, %mul3A_3 : i32
    "tpu.region"() ({
      %run_scoped3A_26 = tpu.sem_alloc : memref<!tpu.dma_semaphore, #tpu.memory_space<semaphore_mem>>
      %dma_start3A_27 = arith.constant 0 : i32
      %dma_start3A_28 = tpu.memref_slice %arg14[%mul3A_4, %dma_start3A_27] : memref<10000x32xf32, #tpu.memory_space<vmem_shared>> -> memref<625x32xf32, #tpu.memory_space<vmem_shared>>
      %dma_start3A_29 = arith.constant 0 : i32
      %dma_start3A_30 = tpu.memref_slice %arg2[%add3A, %dma_start3A_29] : memref<20000x32xf32, #tpu.memory_space<hbm>> -> memref<625x32xf32, #tpu.memory_space<hbm>>
      tpu.enqueue_dma source(%dma_start3A_30 : memref<625x32xf32, #tpu.memory_space<hbm>>) target(%dma_start3A_28 : memref<625x32xf32, #tpu.memory_space<vmem_shared>>) target_semaphore(%run_scoped3A_26 : memref<!tpu.dma_semaphore, #tpu.memory_space<semaphore_mem>>)
      %dma_wait3A_31 = arith.constant 0 : i32
      %dma_wait3A_32 = tpu.memref_slice %arg14[%mul3A_4, %dma_wait3A_31] : memref<10000x32xf32, #tpu.memory_space<vmem_shared>> -> memref<625x32xf32, #tpu.memory_space<vmem_shared>>
      %dma_wait3A_33 = arith.constant 0 : i32
      %dma_wait3A_34 = tpu.memref_slice %arg2[%add3A, %dma_wait3A_33] : memref<20000x32xf32, #tpu.memory_space<hbm>> -> memref<625x32xf32, #tpu.memory_space<hbm>>
      tpu.wait_dma2 semaphore(%run_scoped3A_26 : memref<!tpu.dma_semaphore, #tpu.memory_space<semaphore_mem>>) src(%dma_wait3A_34 : memref<625x32xf32, #tpu.memory_space<hbm>>) dst(%dma_wait3A_32 : memref<625x32xf32, #tpu.memory_space<vmem_shared>>)
      tpu.yield
    }) : () -> ()
    %mul3A_5 = arith.constant 158 : i32
    %mul3A_6 = arith.muli %arg1, %mul3A_5 : i32
    %run_scoped3A = arith.constant 0 : i32
    "tpu.region"() ({
      %run_scoped3A_26 = tpu.sem_alloc : memref<!tpu.dma_semaphore, #tpu.memory_space<semaphore_mem>>
      %dma_start3A_27 = arith.constant 0 : i32
      %dma_start3A_28 = arith.constant 0 : i32
      %dma_start3A_29 = tpu.memref_slice %arg3[%run_scoped3A, %mul3A_6, %dma_start3A_27, %dma_start3A_28] : memref<2x2528x2x128xi32, #tpu.memory_space<hbm>> -> memref<1x158x2x128xi32, #tpu.memory_space<hbm>>
      %dma_start3A_30 = tpu.memref_squeeze %dma_start3A_29 : memref<1x158x2x128xi32, #tpu.memory_space<hbm>> -> memref<158x2x128xi32, #tpu.memory_space<hbm>>
      %dma_start3A_31 = arith.constant 0 : i32
      %dma_start3A_32 = arith.constant 0 : i32
      %dma_start3A_33 = tpu.memref_slice %arg3[%run_scoped3A, %mul3A_6, %dma_start3A_31, %dma_start3A_32] : memref<2x2528x2x128xi32, #tpu.memory_space<hbm>> -> memref<1x158x2x128xi32, #tpu.memory_space<hbm>>
      %dma_start3A_34 = tpu.memref_squeeze %dma_start3A_33 : memref<1x158x2x128xi32, #tpu.memory_space<hbm>> -> memref<158x2x128xi32, #tpu.memory_space<hbm>>
      tpu.enqueue_dma source(%dma_start3A_34 : memref<158x2x128xi32, #tpu.memory_space<hbm>>) target(%arg6 : memref<158x2x128xi32, #tpu.memory_space<vmem>>) target_semaphore(%run_scoped3A_26 : memref<!tpu.dma_semaphore, #tpu.memory_space<semaphore_mem>>)
      %dma_wait3A_35 = arith.constant 0 : i32
      %dma_wait3A_36 = arith.constant 0 : i32
      %dma_wait3A_37 = tpu.memref_slice %arg3[%run_scoped3A, %mul3A_6, %dma_wait3A_35, %dma_wait3A_36] : memref<2x2528x2x128xi32, #tpu.memory_space<hbm>> -> memref<1x158x2x128xi32, #tpu.memory_space<hbm>>
      %dma_wait3A_38 = tpu.memref_squeeze %dma_wait3A_37 : memref<1x158x2x128xi32, #tpu.memory_space<hbm>> -> memref<158x2x128xi32, #tpu.memory_space<hbm>>
      %dma_wait3A_39 = arith.constant 0 : i32
      %dma_wait3A_40 = arith.constant 0 : i32
      %dma_wait3A_41 = tpu.memref_slice %arg3[%run_scoped3A, %mul3A_6, %dma_wait3A_39, %dma_wait3A_40] : memref<2x2528x2x128xi32, #tpu.memory_space<hbm>> -> memref<1x158x2x128xi32, #tpu.memory_space<hbm>>
      %dma_wait3A_42 = tpu.memref_squeeze %dma_wait3A_41 : memref<1x158x2x128xi32, #tpu.memory_space<hbm>> -> memref<158x2x128xi32, #tpu.memory_space<hbm>>
      tpu.wait_dma2 semaphore(%run_scoped3A_26 : memref<!tpu.dma_semaphore, #tpu.memory_space<semaphore_mem>>) src(%dma_wait3A_42 : memref<158x2x128xi32, #tpu.memory_space<hbm>>) dst(%arg6 : memref<158x2x128xi32, #tpu.memory_space<vmem>>)
      tpu.yield
    }) : () -> ()
    %mul3A_7 = arith.constant 632 : i32
    %mul3A_8 = arith.muli %arg1, %mul3A_7 : i32
    "tpu.region"() ({
      %run_scoped3A_26 = tpu.sem_alloc : memref<!tpu.dma_semaphore, #tpu.memory_space<semaphore_mem>>
      %dma_start3A_27 = arith.constant 0 : i32
      %dma_start3A_28 = tpu.memref_slice %arg9[%mul3A_8, %dma_start3A_27] : memref<10112x32xf32, #tpu.memory_space<vmem_shared>> -> memref<632x32xf32, #tpu.memory_space<vmem_shared>>
      tpu.enqueue_dma source(%arg4 : memref<632x32xf32, #tpu.memory_space<hbm>>) target(%dma_start3A_28 : memref<632x32xf32, #tpu.memory_space<vmem_shared>>) target_semaphore(%run_scoped3A_26 : memref<!tpu.dma_semaphore, #tpu.memory_space<semaphore_mem>>)
      %dma_wait3A_29 = arith.constant 0 : i32
      %dma_wait3A_30 = tpu.memref_slice %arg9[%mul3A_8, %dma_wait3A_29] : memref<10112x32xf32, #tpu.memory_space<vmem_shared>> -> memref<632x32xf32, #tpu.memory_space<vmem_shared>>
      tpu.wait_dma2 semaphore(%run_scoped3A_26 : memref<!tpu.dma_semaphore, #tpu.memory_space<semaphore_mem>>) src(%arg4 : memref<632x32xf32, #tpu.memory_space<hbm>>) dst(%dma_wait3A_30 : memref<632x32xf32, #tpu.memory_space<vmem_shared>>)
      tpu.yield
    }) : () -> ()
    %barrier3A = arith.constant 0 : index
    tpu.barrier barrier_id(%barrier3A)
    %dma_start3A = arith.constant 0 : i32
    %dma_start3A_9 = arith.constant 0 : i32
    %dma_start3A_10 = arith.constant 0 : i32
    %dma_start3A_11 = tpu.memref_slice %arg6[%dma_start3A, %dma_start3A_9, %dma_start3A_10] : memref<158x2x128xi32, #tpu.memory_space<vmem>> -> memref<1x1x128xi32, #tpu.memory_space<vmem>>
    %dma_start3A_12 = tpu.memref_squeeze %dma_start3A_11 : memref<1x1x128xi32, #tpu.memory_space<vmem>> -> memref<128xi32, #tpu.memory_space<vmem>>
    %dma_start3A_13 = arith.constant 0 : i32
    %dma_start3A_14 = arith.constant 0 : i32
    %dma_start3A_15 = tpu.memref_slice %arg14[%dma_start3A_13, %dma_start3A_14] : memref<10000x32xf32, #tpu.memory_space<vmem_shared>> -> memref<10000x32xf32, #tpu.memory_space<vmem_shared>>
    tpu.enqueue_indirect_dma source(%dma_start3A_15 : memref<10000x32xf32, #tpu.memory_space<vmem_shared>>) target(%arg7 : memref<128x32xf32, #tpu.memory_space<vmem>>) offsets(%dma_start3A_12 : memref<128xi32, #tpu.memory_space<vmem>>) semaphore(%arg10 : memref<!tpu.dma_semaphore, #tpu.memory_space<semaphore_mem>>)
    %scan3A = arith.constant 0 : i32
    %scan3A_16 = arith.constant 79 : i32
    %scan3A_17 = arith.addi %scan3A, %scan3A_16 : i32
    %scan3A_18 = arith.constant 1 : i32
    scf.for %scan3A_26 = %scan3A to %scan3A_17 step %scan3A_18  : i32 {
      %mul3A_27 = arith.constant 2 : i32
      %mul3A_28 = arith.muli %scan3A_26, %mul3A_27 : i32
      %add3A_29 = arith.constant 0 : i32
      %add3A_30 = arith.addi %add3A_29, %mul3A_28 : i32
      %add3A_31 = arith.constant 0 : i32
      %add3A_32 = arith.addi %add3A_30, %add3A_31 : i32
      %ge3A = arith.constant 1 : i32
      %ge3A_33 = arith.cmpi sge, %add3A_32, %ge3A : i32
      %convert_element_type3A = arith.extui %ge3A_33 : i1 to i32
      %cond3A = arith.constant 0 : i32
      %cond3A_34 = arith.cmpi ne, %convert_element_type3A, %cond3A : i32
      scf.if %cond3A_34 {
        %dma_wait3A_81 = arith.constant 0 : i32
        %dma_wait3A_82 = arith.constant 0 : i32
        %dma_wait3A_83 = tpu.memref_slice %arg2[%dma_wait3A_81, %dma_wait3A_82] : memref<20000x32xf32, #tpu.memory_space<hbm>> -> memref<128x32xf32, #tpu.memory_space<hbm>>
        %dma_wait3A_84 = arith.constant 0 : i32
        %dma_wait3A_85 = arith.constant 0 : i32
        %dma_wait3A_86 = tpu.memref_slice %arg2[%dma_wait3A_84, %dma_wait3A_85] : memref<20000x32xf32, #tpu.memory_space<hbm>> -> memref<128x32xf32, #tpu.memory_space<hbm>>
        tpu.wait_dma2 semaphore(%arg13 : memref<!tpu.dma_semaphore, #tpu.memory_space<semaphore_mem>>) src(%dma_wait3A_86 : memref<128x32xf32, #tpu.memory_space<hbm>>) dst(%arg8 : memref<128x32xf32, #tpu.memory_space<vmem>>)
      } else {
      }
      %add3A_35 = arith.constant 1 : i32
      %add3A_36 = arith.addi %add3A_32, %add3A_35 : i32
      %lt3A = arith.constant 158 : i32
      %lt3A_37 = arith.cmpi slt, %add3A_36, %lt3A : i32
      %convert_element_type3A_38 = arith.extui %lt3A_37 : i1 to i32
      %cond3A_39 = arith.constant 0 : i32
      %cond3A_40 = arith.cmpi ne, %convert_element_type3A_38, %cond3A_39 : i32
      scf.if %cond3A_40 {
        %add3A_81 = arith.constant 1 : i32
        %add3A_82 = arith.addi %add3A_32, %add3A_81 : i32
        %dma_start3A_83 = arith.constant 0 : i32
        %dma_start3A_84 = arith.constant 0 : i32
        %dma_start3A_85 = tpu.memref_slice %arg6[%add3A_82, %dma_start3A_83, %dma_start3A_84] : memref<158x2x128xi32, #tpu.memory_space<vmem>> -> memref<1x1x128xi32, #tpu.memory_space<vmem>>
        %dma_start3A_86 = tpu.memref_squeeze %dma_start3A_85 : memref<1x1x128xi32, #tpu.memory_space<vmem>> -> memref<128xi32, #tpu.memory_space<vmem>>
        %dma_start3A_87 = arith.constant 0 : i32
        %dma_start3A_88 = arith.constant 0 : i32
        %dma_start3A_89 = tpu.memref_slice %arg14[%dma_start3A_87, %dma_start3A_88] : memref<10000x32xf32, #tpu.memory_space<vmem_shared>> -> memref<10000x32xf32, #tpu.memory_space<vmem_shared>>
        tpu.enqueue_indirect_dma source(%dma_start3A_89 : memref<10000x32xf32, #tpu.memory_space<vmem_shared>>) target(%arg8 : memref<128x32xf32, #tpu.memory_space<vmem>>) offsets(%dma_start3A_86 : memref<128xi32, #tpu.memory_space<vmem>>) semaphore(%arg11 : memref<!tpu.dma_semaphore, #tpu.memory_space<semaphore_mem>>)
      } else {
      }
      %dma_wait3A_41 = arith.constant 0 : i32
      %dma_wait3A_42 = arith.constant 0 : i32
      %dma_wait3A_43 = tpu.memref_slice %arg2[%dma_wait3A_41, %dma_wait3A_42] : memref<20000x32xf32, #tpu.memory_space<hbm>> -> memref<128x32xf32, #tpu.memory_space<hbm>>
      %dma_wait3A_44 = arith.constant 0 : i32
      %dma_wait3A_45 = arith.constant 0 : i32
      %dma_wait3A_46 = tpu.memref_slice %arg2[%dma_wait3A_44, %dma_wait3A_45] : memref<20000x32xf32, #tpu.memory_space<hbm>> -> memref<128x32xf32, #tpu.memory_space<hbm>>
      tpu.wait_dma2 semaphore(%arg10 : memref<!tpu.dma_semaphore, #tpu.memory_space<semaphore_mem>>) src(%dma_wait3A_46 : memref<128x32xf32, #tpu.memory_space<hbm>>) dst(%arg7 : memref<128x32xf32, #tpu.memory_space<vmem>>)
      %dma_start3A_47 = arith.constant 1 : i32
      %dma_start3A_48 = arith.constant 0 : i32
      %dma_start3A_49 = tpu.memref_slice %arg6[%add3A_32, %dma_start3A_47, %dma_start3A_48] : memref<158x2x128xi32, #tpu.memory_space<vmem>> -> memref<1x1x128xi32, #tpu.memory_space<vmem>>
      %dma_start3A_50 = tpu.memref_squeeze %dma_start3A_49 : memref<1x1x128xi32, #tpu.memory_space<vmem>> -> memref<128xi32, #tpu.memory_space<vmem>>
      %dma_start3A_51 = arith.constant 0 : i32
      %dma_start3A_52 = arith.constant 0 : i32
      %dma_start3A_53 = tpu.memref_slice %arg9[%dma_start3A_51, %dma_start3A_52] : memref<10112x32xf32, #tpu.memory_space<vmem_shared>> -> memref<10112x32xf32, #tpu.memory_space<vmem_shared>>
      tpu.enqueue_indirect_dma source(%arg7 : memref<128x32xf32, #tpu.memory_space<vmem>>) target(%dma_start3A_53 : memref<10112x32xf32, #tpu.memory_space<vmem_shared>>) offsets(%dma_start3A_50 : memref<128xi32, #tpu.memory_space<vmem>>) semaphore(%arg12 : memref<!tpu.dma_semaphore, #tpu.memory_space<semaphore_mem>>) {add = true}
      %add3A_54 = arith.constant 1 : i32
      %add3A_55 = arith.addi %add3A_30, %add3A_54 : i32
      %ge3A_56 = arith.constant 1 : i32
      %ge3A_57 = arith.cmpi sge, %add3A_55, %ge3A_56 : i32
      %convert_element_type3A_58 = arith.extui %ge3A_57 : i1 to i32
      %cond3A_59 = arith.constant 0 : i32
      %cond3A_60 = arith.cmpi ne, %convert_element_type3A_58, %cond3A_59 : i32
      scf.if %cond3A_60 {
        %dma_wait3A_81 = arith.constant 0 : i32
        %dma_wait3A_82 = arith.constant 0 : i32
        %dma_wait3A_83 = tpu.memref_slice %arg2[%dma_wait3A_81, %dma_wait3A_82] : memref<20000x32xf32, #tpu.memory_space<hbm>> -> memref<128x32xf32, #tpu.memory_space<hbm>>
        %dma_wait3A_84 = arith.constant 0 : i32
        %dma_wait3A_85 = arith.constant 0 : i32
        %dma_wait3A_86 = tpu.memref_slice %arg2[%dma_wait3A_84, %dma_wait3A_85] : memref<20000x32xf32, #tpu.memory_space<hbm>> -> memref<128x32xf32, #tpu.memory_space<hbm>>
        tpu.wait_dma2 semaphore(%arg12 : memref<!tpu.dma_semaphore, #tpu.memory_space<semaphore_mem>>) src(%dma_wait3A_86 : memref<128x32xf32, #tpu.memory_space<hbm>>) dst(%arg7 : memref<128x32xf32, #tpu.memory_space<vmem>>)
      } else {
      }
      %add3A_61 = arith.constant 1 : i32
      %add3A_62 = arith.addi %add3A_55, %add3A_61 : i32
      %lt3A_63 = arith.constant 158 : i32
      %lt3A_64 = arith.cmpi slt, %add3A_62, %lt3A_63 : i32
      %convert_element_type3A_65 = arith.extui %lt3A_64 : i1 to i32
      %cond3A_66 = arith.constant 0 : i32
      %cond3A_67 = arith.cmpi ne, %convert_element_type3A_65, %cond3A_66 : i32
      scf.if %cond3A_67 {
        %add3A_81 = arith.constant 1 : i32
        %add3A_82 = arith.addi %add3A_55, %add3A_81 : i32
        %dma_start3A_83 = arith.constant 0 : i32
        %dma_start3A_84 = arith.constant 0 : i32
        %dma_start3A_85 = tpu.memref_slice %arg6[%add3A_82, %dma_start3A_83, %dma_start3A_84] : memref<158x2x128xi32, #tpu.memory_space<vmem>> -> memref<1x1x128xi32, #tpu.memory_space<vmem>>
        %dma_start3A_86 = tpu.memref_squeeze %dma_start3A_85 : memref<1x1x128xi32, #tpu.memory_space<vmem>> -> memref<128xi32, #tpu.memory_space<vmem>>
        %dma_start3A_87 = arith.constant 0 : i32
        %dma_start3A_88 = arith.constant 0 : i32
        %dma_start3A_89 = tpu.memref_slice %arg14[%dma_start3A_87, %dma_start3A_88] : memref<10000x32xf32, #tpu.memory_space<vmem_shared>> -> memref<10000x32xf32, #tpu.memory_space<vmem_shared>>
        tpu.enqueue_indirect_dma source(%dma_start3A_89 : memref<10000x32xf32, #tpu.memory_space<vmem_shared>>) target(%arg7 : memref<128x32xf32, #tpu.memory_space<vmem>>) offsets(%dma_start3A_86 : memref<128xi32, #tpu.memory_space<vmem>>) semaphore(%arg10 : memref<!tpu.dma_semaphore, #tpu.memory_space<semaphore_mem>>)
      } else {
      }
      %dma_wait3A_68 = arith.constant 0 : i32
      %dma_wait3A_69 = arith.constant 0 : i32
      %dma_wait3A_70 = tpu.memref_slice %arg2[%dma_wait3A_68, %dma_wait3A_69] : memref<20000x32xf32, #tpu.memory_space<hbm>> -> memref<128x32xf32, #tpu.memory_space<hbm>>
      %dma_wait3A_71 = arith.constant 0 : i32
      %dma_wait3A_72 = arith.constant 0 : i32
      %dma_wait3A_73 = tpu.memref_slice %arg2[%dma_wait3A_71, %dma_wait3A_72] : memref<20000x32xf32, #tpu.memory_space<hbm>> -> memref<128x32xf32, #tpu.memory_space<hbm>>
      tpu.wait_dma2 semaphore(%arg11 : memref<!tpu.dma_semaphore, #tpu.memory_space<semaphore_mem>>) src(%dma_wait3A_73 : memref<128x32xf32, #tpu.memory_space<hbm>>) dst(%arg8 : memref<128x32xf32, #tpu.memory_space<vmem>>)
      %dma_start3A_74 = arith.constant 1 : i32
      %dma_start3A_75 = arith.constant 0 : i32
      %dma_start3A_76 = tpu.memref_slice %arg6[%add3A_55, %dma_start3A_74, %dma_start3A_75] : memref<158x2x128xi32, #tpu.memory_space<vmem>> -> memref<1x1x128xi32, #tpu.memory_space<vmem>>
      %dma_start3A_77 = tpu.memref_squeeze %dma_start3A_76 : memref<1x1x128xi32, #tpu.memory_space<vmem>> -> memref<128xi32, #tpu.memory_space<vmem>>
      %dma_start3A_78 = arith.constant 0 : i32
      %dma_start3A_79 = arith.constant 0 : i32
      %dma_start3A_80 = tpu.memref_slice %arg9[%dma_start3A_78, %dma_start3A_79] : memref<10112x32xf32, #tpu.memory_space<vmem_shared>> -> memref<10112x32xf32, #tpu.memory_space<vmem_shared>>
      tpu.enqueue_indirect_dma source(%arg8 : memref<128x32xf32, #tpu.memory_space<vmem>>) target(%dma_start3A_80 : memref<10112x32xf32, #tpu.memory_space<vmem_shared>>) offsets(%dma_start3A_77 : memref<128xi32, #tpu.memory_space<vmem>>) semaphore(%arg13 : memref<!tpu.dma_semaphore, #tpu.memory_space<semaphore_mem>>) {add = true}
    }
    %scan3A_19 = arith.constant 79 : i32
    %dma_wait3A = arith.constant 0 : i32
    %dma_wait3A_20 = arith.constant 0 : i32
    %dma_wait3A_21 = tpu.memref_slice %arg2[%dma_wait3A, %dma_wait3A_20] : memref<20000x32xf32, #tpu.memory_space<hbm>> -> memref<128x32xf32, #tpu.memory_space<hbm>>
    %dma_wait3A_22 = arith.constant 0 : i32
    %dma_wait3A_23 = arith.constant 0 : i32
    %dma_wait3A_24 = tpu.memref_slice %arg2[%dma_wait3A_22, %dma_wait3A_23] : memref<20000x32xf32, #tpu.memory_space<hbm>> -> memref<128x32xf32, #tpu.memory_space<hbm>>
    tpu.wait_dma2 semaphore(%arg13 : memref<!tpu.dma_semaphore, #tpu.memory_space<semaphore_mem>>) src(%dma_wait3A_24 : memref<128x32xf32, #tpu.memory_space<hbm>>) dst(%arg8 : memref<128x32xf32, #tpu.memory_space<vmem>>)
    %barrier3A_25 = arith.constant 0 : index
    tpu.barrier barrier_id(%barrier3A_25)
    "tpu.region"() ({
      %run_scoped3A_26 = tpu.sem_alloc : memref<!tpu.dma_semaphore, #tpu.memory_space<semaphore_mem>>
      %dma_start3A_27 = arith.constant 0 : i32
      %dma_start3A_28 = tpu.memref_slice %arg5[%arg0, %mul3A_8, %dma_start3A_27] : memref<2x10112x32xf32, #tpu.memory_space<hbm>> -> memref<1x632x32xf32, #tpu.memory_space<hbm>>
      %dma_start3A_29 = tpu.memref_squeeze %dma_start3A_28 : memref<1x632x32xf32, #tpu.memory_space<hbm>> -> memref<632x32xf32, #tpu.memory_space<hbm>>
      %dma_start3A_30 = arith.constant 0 : i32
      %dma_start3A_31 = tpu.memref_slice %arg9[%mul3A_8, %dma_start3A_30] : memref<10112x32xf32, #tpu.memory_space<vmem_shared>> -> memref<632x32xf32, #tpu.memory_space<vmem_shared>>
      tpu.enqueue_dma source(%dma_start3A_31 : memref<632x32xf32, #tpu.memory_space<vmem_shared>>) target(%dma_start3A_29 : memref<632x32xf32, #tpu.memory_space<hbm>>) target_semaphore(%run_scoped3A_26 : memref<!tpu.dma_semaphore, #tpu.memory_space<semaphore_mem>>)
      %dma_wait3A_32 = arith.constant 0 : i32
      %dma_wait3A_33 = tpu.memref_slice %arg5[%arg0, %mul3A_8, %dma_wait3A_32] : memref<2x10112x32xf32, #tpu.memory_space<hbm>> -> memref<1x632x32xf32, #tpu.memory_space<hbm>>
      %dma_wait3A_34 = tpu.memref_squeeze %dma_wait3A_33 : memref<1x632x32xf32, #tpu.memory_space<hbm>> -> memref<632x32xf32, #tpu.memory_space<hbm>>
      %dma_wait3A_35 = arith.constant 0 : i32
      %dma_wait3A_36 = tpu.memref_slice %arg9[%mul3A_8, %dma_wait3A_35] : memref<10112x32xf32, #tpu.memory_space<vmem_shared>> -> memref<632x32xf32, #tpu.memory_space<vmem_shared>>
      tpu.wait_dma2 semaphore(%run_scoped3A_26 : memref<!tpu.dma_semaphore, #tpu.memory_space<semaphore_mem>>) src(%dma_wait3A_36 : memref<632x32xf32, #tpu.memory_space<vmem_shared>>) dst(%dma_wait3A_34 : memref<632x32xf32, #tpu.memory_space<hbm>>)
      tpu.yield
    }) : () -> ()
    return
  }
}

module attributes {stable_mosaic.version = 14 : i64} {
  func.func @_m1_body(%arg0: i32, %arg1: memref<2x1000x16xf32, #tpu.memory_space<vmem>>, %arg2: memref<1000x128xf32, #tpu.memory_space<vmem>>, %arg3: memref<128x128xf32, #tpu.memory_space<vmem>>, %arg4: memref<2x1000x64xf32, #tpu.memory_space<vmem>>, %arg5: memref<1000x1xf32, #tpu.memory_space<vmem>>) attributes {dimension_semantics = [#tpu.dimension_semantics<arbitrary>], iteration_bounds = array<i64: 10>, scalar_prefetch = 0 : i64, scratch_operands = 0 : i64, tpu.core_type = #tpu.core_type<tc>, window_params = [{transform_indices = @transform_0, window_bounds = array<i64: 2, 1000, 16>}, {transform_indices = @transform_1, window_bounds = array<i64: 1000, 128>}, {pipeline_mode = #tpu.pipeline_mode<synchronous>, transform_indices = @transform_2, window_bounds = array<i64: 128, 128>}, {transform_indices = @transform_3, window_bounds = array<i64: 2, 1000, 64>}, {transform_indices = @transform_4, window_bounds = array<i64: 1000, 1>}]} {
    %get3A = arith.constant 0 : index
    %get3A_0 = arith.constant 0 : index
    %get3A_1 = arith.constant 0 : index
    %get3A_2 = vector.load %arg1[%get3A, %get3A_0, %get3A_1] : memref<2x1000x16xf32, #tpu.memory_space<vmem>>, vector<1x1000x1xf32>
    %get3A_3 = vector.shape_cast %get3A_2 : vector<1x1000x1xf32> to vector<1000x1xf32>
    %get3A_4 = arith.constant 1 : index
    %get3A_5 = arith.constant 0 : index
    %get3A_6 = arith.constant 0 : index
    %get3A_7 = vector.load %arg1[%get3A_4, %get3A_5, %get3A_6] : memref<2x1000x16xf32, #tpu.memory_space<vmem>>, vector<1x1000x1xf32>
    %get3A_8 = vector.shape_cast %get3A_7 : vector<1x1000x1xf32> to vector<1000x1xf32>
    %add3A = arith.addf %get3A_3, %get3A_8 : vector<1000x1xf32>
    %add3A_9 = arith.constant 1.000000e+00 : f32
    %add3A_10 = vector.broadcast %add3A_9 : f32 to vector<1000x1xf32>
    %add3A_11 = arith.addf %add3A, %add3A_10 : vector<1000x1xf32>
    %rsqrt3A = math.rsqrt %add3A_11 : vector<1000x1xf32>
    %get3A_12 = arith.constant 0 : index
    %get3A_13 = arith.constant 0 : index
    %get3A_14 = vector.load %arg2[%get3A_12, %get3A_13] : memref<1000x128xf32, #tpu.memory_space<vmem>>, vector<1000x128xf32>
    %get3A_15 = arith.constant 0 : index
    %get3A_16 = arith.constant 0 : index
    %get3A_17 = vector.load %arg3[%get3A_15, %get3A_16] : memref<128x128xf32, #tpu.memory_space<vmem>>, vector<128x128xf32>
    %dot_general3A = arith.constant dense<0.000000e+00> : vector<1000x128xf32>
    %dot_general3A_18 = tpu.matmul %get3A_14, %get3A_17, %dot_general3A {dimension_numbers = #tpu.dot_dimension_numbers<[1], [0], [0], [1], [0, 0, 1, 1], [], []>, transpose_lhs_hint = false} : vector<1000x128xf32>, vector<128x128xf32>, vector<1000x128xf32> -> vector<1000x128xf32>
    %mul3A = vector.broadcast %rsqrt3A : vector<1000x1xf32> to vector<1000x128xf32>
    %mul3A_19 = arith.mulf %dot_general3A_18, %mul3A : vector<1000x128xf32>
    %slice3A = vector.extract_strided_slice %mul3A_19 {offsets = [0, 0], sizes = [1000, 64], strides = [1, 1]} : vector<1000x128xf32> to vector<1000x64xf32>
    %swap3A = arith.constant 0 : index
    %swap3A_20 = arith.constant 0 : index
    %swap3A_21 = arith.constant 0 : index
    %swap3A_22 = vector.load %arg4[%swap3A, %swap3A_20, %swap3A_21] : memref<2x1000x64xf32, #tpu.memory_space<vmem>>, vector<1x1000x64xf32>
    %swap3A_23 = vector.shape_cast %swap3A_22 : vector<1x1000x64xf32> to vector<1000x64xf32>
    %swap3A_24 = vector.shape_cast %slice3A : vector<1000x64xf32> to vector<1x1000x64xf32>
    tpu.vector_store %arg4[%swap3A, %swap3A_20, %swap3A_21], %swap3A_24 {strides = array<i32>} : memref<2x1000x64xf32, #tpu.memory_space<vmem>>, vector<1x1000x64xf32>,
    %slice3A_25 = vector.extract_strided_slice %mul3A_19 {offsets = [0, 64], sizes = [1000, 64], strides = [1, 1]} : vector<1000x128xf32> to vector<1000x64xf32>
    %swap3A_26 = arith.constant 1 : index
    %swap3A_27 = arith.constant 0 : index
    %swap3A_28 = arith.constant 0 : index
    %swap3A_29 = vector.load %arg4[%swap3A_26, %swap3A_27, %swap3A_28] : memref<2x1000x64xf32, #tpu.memory_space<vmem>>, vector<1x1000x64xf32>
    %swap3A_30 = vector.shape_cast %swap3A_29 : vector<1x1000x64xf32> to vector<1000x64xf32>
    %swap3A_31 = vector.shape_cast %slice3A_25 : vector<1000x64xf32> to vector<1x1000x64xf32>
    tpu.vector_store %arg4[%swap3A_26, %swap3A_27, %swap3A_28], %swap3A_31 {strides = array<i32>} : memref<2x1000x64xf32, #tpu.memory_space<vmem>>, vector<1x1000x64xf32>,
    %swap3A_32 = arith.constant 0 : index
    %swap3A_33 = arith.constant 0 : index
    %swap3A_34 = vector.load %arg5[%swap3A_32, %swap3A_33] : memref<1000x1xf32, #tpu.memory_space<vmem>>, vector<1000x1xf32>
    tpu.vector_store %arg5[%swap3A_32, %swap3A_33], %rsqrt3A {strides = array<i32>} : memref<1000x1xf32, #tpu.memory_space<vmem>>, vector<1000x1xf32>,
    return
  }
  func.func @transform_0(%arg0: i32) -> (i32, i32, i32) {
    %c0_i32 = arith.constant 0 : i32
    %c0_i32_0 = arith.constant 0 : i32
    %c0_i32_1 = arith.constant 0 : i32
    return %c0_i32, %arg0, %c0_i32_0 : i32, i32, i32
  }
  func.func @transform_1(%arg0: i32) -> (i32, i32) {
    %c0_i32 = arith.constant 0 : i32
    %c0_i32_0 = arith.constant 0 : i32
    return %arg0, %c0_i32 : i32, i32
  }
  func.func @transform_2(%arg0: i32) -> (i32, i32) {
    %c0_i32 = arith.constant 0 : i32
    %c0_i32_0 = arith.constant 0 : i32
    %c0_i32_1 = arith.constant 0 : i32
    return %c0_i32, %c0_i32_0 : i32, i32
  }
  func.func @transform_3(%arg0: i32) -> (i32, i32, i32) {
    %c0_i32 = arith.constant 0 : i32
    %c0_i32_0 = arith.constant 0 : i32
    %c0_i32_1 = arith.constant 0 : i32
    return %c0_i32, %arg0, %c0_i32_0 : i32, i32, i32
  }
  func.func @transform_4(%arg0: i32) -> (i32, i32) {
    %c0_i32 = arith.constant 0 : i32
    %c0_i32_0 = arith.constant 0 : i32
    return %arg0, %c0_i32 : i32, i32
  }
}

module attributes {stable_mosaic.version = 14 : i64} {
  func.func @_m2_body(%arg0: i32, %arg1: memref<1x1000x64xf32, #tpu.memory_space<vmem>>, %arg2: memref<1x1000x64xf32, #tpu.memory_space<vmem>>, %arg3: memref<1x1000x64xf32, #tpu.memory_space<vmem>>, %arg4: memref<1x1000x64xf32, #tpu.memory_space<vmem>>, %arg5: memref<1000x1xf32, #tpu.memory_space<vmem>>, %arg6: memref<1x128xf32, #tpu.memory_space<vmem>>, %arg7: memref<128x64xf32, #tpu.memory_space<vmem>>, %arg8: memref<2x1000x32xf32, #tpu.memory_space<vmem>>) attributes {dimension_semantics = [#tpu.dimension_semantics<arbitrary>], iteration_bounds = array<i64: 10>, scalar_prefetch = 0 : i64, scratch_operands = 0 : i64, tpu.core_type = #tpu.core_type<tc>, window_params = [{transform_indices = @transform_0, window_bounds = array<i64: 1, 1000, 64>}, {transform_indices = @transform_1, window_bounds = array<i64: 1, 1000, 64>}, {transform_indices = @transform_2, window_bounds = array<i64: 1, 1000, 64>}, {transform_indices = @transform_3, window_bounds = array<i64: 1, 1000, 64>}, {transform_indices = @transform_4, window_bounds = array<i64: 1000, 1>}, {pipeline_mode = #tpu.pipeline_mode<synchronous>, transform_indices = @transform_5, window_bounds = array<i64: 1, 128>}, {pipeline_mode = #tpu.pipeline_mode<synchronous>, transform_indices = @transform_6, window_bounds = array<i64: 128, 64>}, {transform_indices = @transform_7, window_bounds = array<i64: 2, 1000, 32>}]} {
    %get3A = arith.constant 0 : index
    %get3A_0 = arith.constant 0 : index
    %get3A_1 = arith.constant 0 : index
    %get3A_2 = vector.load %arg1[%get3A, %get3A_0, %get3A_1] : memref<1x1000x64xf32, #tpu.memory_space<vmem>>, vector<1x1000x64xf32>
    %get3A_3 = vector.shape_cast %get3A_2 : vector<1x1000x64xf32> to vector<1000x64xf32>
    %get3A_4 = arith.constant 0 : index
    %get3A_5 = arith.constant 0 : index
    %get3A_6 = arith.constant 0 : index
    %get3A_7 = vector.load %arg3[%get3A_4, %get3A_5, %get3A_6] : memref<1x1000x64xf32, #tpu.memory_space<vmem>>, vector<1x1000x64xf32>
    %get3A_8 = vector.shape_cast %get3A_7 : vector<1x1000x64xf32> to vector<1000x64xf32>
    %add3A = arith.addf %get3A_3, %get3A_8 : vector<1000x64xf32>
    %get3A_9 = arith.constant 0 : index
    %get3A_10 = arith.constant 0 : index
    %get3A_11 = arith.constant 0 : index
    %get3A_12 = vector.load %arg2[%get3A_9, %get3A_10, %get3A_11] : memref<1x1000x64xf32, #tpu.memory_space<vmem>>, vector<1x1000x64xf32>
    %get3A_13 = vector.shape_cast %get3A_12 : vector<1x1000x64xf32> to vector<1000x64xf32>
    %get3A_14 = arith.constant 0 : index
    %get3A_15 = arith.constant 0 : index
    %get3A_16 = arith.constant 0 : index
    %get3A_17 = vector.load %arg4[%get3A_14, %get3A_15, %get3A_16] : memref<1x1000x64xf32, #tpu.memory_space<vmem>>, vector<1x1000x64xf32>
    %get3A_18 = vector.shape_cast %get3A_17 : vector<1x1000x64xf32> to vector<1000x64xf32>
    %add3A_19 = arith.addf %get3A_13, %get3A_18 : vector<1000x64xf32>
    %concatenate3A = tpu.concatenate %add3A, %add3A_19 in 1 : vector<1000x64xf32>, vector<1000x64xf32> -> vector<1000x128xf32>
    %get3A_20 = arith.constant 0 : index
    %get3A_21 = arith.constant 0 : index
    %get3A_22 = vector.load %arg5[%get3A_20, %get3A_21] : memref<1000x1xf32, #tpu.memory_space<vmem>>, vector<1000x1xf32>
    %mul3A = vector.broadcast %get3A_22 : vector<1000x1xf32> to vector<1000x128xf32>
    %mul3A_23 = arith.mulf %concatenate3A, %mul3A : vector<1000x128xf32>
    %get3A_24 = arith.constant 0 : index
    %get3A_25 = arith.constant 0 : index
    %get3A_26 = vector.load %arg6[%get3A_24, %get3A_25] : memref<1x128xf32, #tpu.memory_space<vmem>>, vector<1x128xf32>
    %add3A_27 = vector.broadcast %get3A_26 : vector<1x128xf32> to vector<1000x128xf32>
    %add3A_28 = arith.addf %mul3A_23, %add3A_27 : vector<1000x128xf32>
    %max3A = arith.constant 0.000000e+00 : f32
    %max3A_29 = vector.broadcast %max3A : f32 to vector<1000x128xf32>
    %max3A_30 = arith.maximumf %add3A_28, %max3A_29 : vector<1000x128xf32>
    %get3A_31 = arith.constant 0 : index
    %get3A_32 = arith.constant 0 : index
    %get3A_33 = vector.load %arg7[%get3A_31, %get3A_32] : memref<128x64xf32, #tpu.memory_space<vmem>>, vector<128x64xf32>
    %dot_general3A = arith.constant dense<0.000000e+00> : vector<1000x64xf32>
    %dot_general3A_34 = tpu.matmul %max3A_30, %get3A_33, %dot_general3A {dimension_numbers = #tpu.dot_dimension_numbers<[1], [0], [0], [1], [0, 0, 1, 1], [], []>, transpose_lhs_hint = false} : vector<1000x128xf32>, vector<128x64xf32>, vector<1000x64xf32> -> vector<1000x64xf32>
    %get3A_35 = arith.constant 0 : index
    %get3A_36 = arith.constant 0 : index
    %get3A_37 = vector.load %arg5[%get3A_35, %get3A_36] : memref<1000x1xf32, #tpu.memory_space<vmem>>, vector<1000x1xf32>
    %mul3A_38 = vector.broadcast %get3A_37 : vector<1000x1xf32> to vector<1000x64xf32>
    %mul3A_39 = arith.mulf %dot_general3A_34, %mul3A_38 : vector<1000x64xf32>
    %slice3A = vector.extract_strided_slice %mul3A_39 {offsets = [0, 0], sizes = [1000, 32], strides = [1, 1]} : vector<1000x64xf32> to vector<1000x32xf32>
    %swap3A = arith.constant 0 : index
    %swap3A_40 = arith.constant 0 : index
    %swap3A_41 = arith.constant 0 : index
    %swap3A_42 = vector.load %arg8[%swap3A, %swap3A_40, %swap3A_41] : memref<2x1000x32xf32, #tpu.memory_space<vmem>>, vector<1x1000x32xf32>
    %swap3A_43 = vector.shape_cast %swap3A_42 : vector<1x1000x32xf32> to vector<1000x32xf32>
    %swap3A_44 = vector.shape_cast %slice3A : vector<1000x32xf32> to vector<1x1000x32xf32>
    tpu.vector_store %arg8[%swap3A, %swap3A_40, %swap3A_41], %swap3A_44 {strides = array<i32>} : memref<2x1000x32xf32, #tpu.memory_space<vmem>>, vector<1x1000x32xf32>,
    %slice3A_45 = vector.extract_strided_slice %mul3A_39 {offsets = [0, 32], sizes = [1000, 32], strides = [1, 1]} : vector<1000x64xf32> to vector<1000x32xf32>
    %swap3A_46 = arith.constant 1 : index
    %swap3A_47 = arith.constant 0 : index
    %swap3A_48 = arith.constant 0 : index
    %swap3A_49 = vector.load %arg8[%swap3A_46, %swap3A_47, %swap3A_48] : memref<2x1000x32xf32, #tpu.memory_space<vmem>>, vector<1x1000x32xf32>
    %swap3A_50 = vector.shape_cast %swap3A_49 : vector<1x1000x32xf32> to vector<1000x32xf32>
    %swap3A_51 = vector.shape_cast %slice3A_45 : vector<1000x32xf32> to vector<1x1000x32xf32>
    tpu.vector_store %arg8[%swap3A_46, %swap3A_47, %swap3A_48], %swap3A_51 {strides = array<i32>} : memref<2x1000x32xf32, #tpu.memory_space<vmem>>, vector<1x1000x32xf32>,
    return
  }
  func.func @transform_0(%arg0: i32) -> (i32, i32, i32) {
    %c0_i32 = arith.constant 0 : i32
    %c0_i32_0 = arith.constant 0 : i32
    %c0_i32_1 = arith.constant 0 : i32
    return %c0_i32, %arg0, %c0_i32_0 : i32, i32, i32
  }
  func.func @transform_1(%arg0: i32) -> (i32, i32, i32) {
    %c1_i32 = arith.constant 1 : i32
    %c0_i32 = arith.constant 0 : i32
    %c0_i32_0 = arith.constant 0 : i32
    return %c1_i32, %arg0, %c0_i32 : i32, i32, i32
  }
  func.func @transform_2(%arg0: i32) -> (i32, i32, i32) {
    %c0_i32 = arith.constant 0 : i32
    %c0_i32_0 = arith.constant 0 : i32
    %c0_i32_1 = arith.constant 0 : i32
    return %c0_i32, %arg0, %c0_i32_0 : i32, i32, i32
  }
  func.func @transform_3(%arg0: i32) -> (i32, i32, i32) {
    %c1_i32 = arith.constant 1 : i32
    %c0_i32 = arith.constant 0 : i32
    %c0_i32_0 = arith.constant 0 : i32
    return %c1_i32, %arg0, %c0_i32 : i32, i32, i32
  }
  func.func @transform_4(%arg0: i32) -> (i32, i32) {
    %c0_i32 = arith.constant 0 : i32
    %c0_i32_0 = arith.constant 0 : i32
    return %arg0, %c0_i32 : i32, i32
  }
  func.func @transform_5(%arg0: i32) -> (i32, i32) {
    %c0_i32 = arith.constant 0 : i32
    %c0_i32_0 = arith.constant 0 : i32
    %c0_i32_1 = arith.constant 0 : i32
    return %c0_i32, %c0_i32_0 : i32, i32
  }
  func.func @transform_6(%arg0: i32) -> (i32, i32) {
    %c0_i32 = arith.constant 0 : i32
    %c0_i32_0 = arith.constant 0 : i32
    %c0_i32_1 = arith.constant 0 : i32
    return %c0_i32, %c0_i32_0 : i32, i32
  }
  func.func @transform_7(%arg0: i32) -> (i32, i32, i32) {
    %c0_i32 = arith.constant 0 : i32
    %c0_i32_0 = arith.constant 0 : i32
    %c0_i32_1 = arith.constant 0 : i32
    return %c0_i32, %arg0, %c0_i32_0 : i32, i32, i32
  }
}

module attributes {stable_mosaic.version = 14 : i64} {
  func.func @_fin_body(%arg0: i32, %arg1: memref<1x1000x32xf32, #tpu.memory_space<vmem>>, %arg2: memref<1x1000x32xf32, #tpu.memory_space<vmem>>, %arg3: memref<1x1000x32xf32, #tpu.memory_space<vmem>>, %arg4: memref<1x1000x32xf32, #tpu.memory_space<vmem>>, %arg5: memref<1000x1xf32, #tpu.memory_space<vmem>>, %arg6: memref<1x64xf32, #tpu.memory_space<vmem>>, %arg7: memref<1000x40xf32, #tpu.memory_space<vmem>>) attributes {dimension_semantics = [#tpu.dimension_semantics<arbitrary>], iteration_bounds = array<i64: 10>, scalar_prefetch = 0 : i64, scratch_operands = 0 : i64, tpu.core_type = #tpu.core_type<tc>, window_params = [{transform_indices = @transform_0, window_bounds = array<i64: 1, 1000, 32>}, {transform_indices = @transform_1, window_bounds = array<i64: 1, 1000, 32>}, {transform_indices = @transform_2, window_bounds = array<i64: 1, 1000, 32>}, {transform_indices = @transform_3, window_bounds = array<i64: 1, 1000, 32>}, {transform_indices = @transform_4, window_bounds = array<i64: 1000, 1>}, {pipeline_mode = #tpu.pipeline_mode<synchronous>, transform_indices = @transform_5, window_bounds = array<i64: 1, 64>}, {transform_indices = @transform_6, window_bounds = array<i64: 1000, 40>}]} {
    %get3A = arith.constant 0 : index
    %get3A_0 = arith.constant 0 : index
    %get3A_1 = arith.constant 0 : index
    %get3A_2 = vector.load %arg1[%get3A, %get3A_0, %get3A_1] : memref<1x1000x32xf32, #tpu.memory_space<vmem>>, vector<1x1000x32xf32>
    %get3A_3 = vector.shape_cast %get3A_2 : vector<1x1000x32xf32> to vector<1000x32xf32>
    %get3A_4 = arith.constant 0 : index
    %get3A_5 = arith.constant 0 : index
    %get3A_6 = arith.constant 0 : index
    %get3A_7 = vector.load %arg3[%get3A_4, %get3A_5, %get3A_6] : memref<1x1000x32xf32, #tpu.memory_space<vmem>>, vector<1x1000x32xf32>
    %get3A_8 = vector.shape_cast %get3A_7 : vector<1x1000x32xf32> to vector<1000x32xf32>
    %add3A = arith.addf %get3A_3, %get3A_8 : vector<1000x32xf32>
    %get3A_9 = arith.constant 0 : index
    %get3A_10 = arith.constant 0 : index
    %get3A_11 = arith.constant 0 : index
    %get3A_12 = vector.load %arg2[%get3A_9, %get3A_10, %get3A_11] : memref<1x1000x32xf32, #tpu.memory_space<vmem>>, vector<1x1000x32xf32>
    %get3A_13 = vector.shape_cast %get3A_12 : vector<1x1000x32xf32> to vector<1000x32xf32>
    %get3A_14 = arith.constant 0 : index
    %get3A_15 = arith.constant 0 : index
    %get3A_16 = arith.constant 0 : index
    %get3A_17 = vector.load %arg4[%get3A_14, %get3A_15, %get3A_16] : memref<1x1000x32xf32, #tpu.memory_space<vmem>>, vector<1x1000x32xf32>
    %get3A_18 = vector.shape_cast %get3A_17 : vector<1x1000x32xf32> to vector<1000x32xf32>
    %add3A_19 = arith.addf %get3A_13, %get3A_18 : vector<1000x32xf32>
    %concatenate3A = tpu.concatenate %add3A, %add3A_19 in 1 : vector<1000x32xf32>, vector<1000x32xf32> -> vector<1000x64xf32>
    %get3A_20 = arith.constant 0 : index
    %get3A_21 = arith.constant 0 : index
    %get3A_22 = vector.load %arg5[%get3A_20, %get3A_21] : memref<1000x1xf32, #tpu.memory_space<vmem>>, vector<1000x1xf32>
    %mul3A = vector.broadcast %get3A_22 : vector<1000x1xf32> to vector<1000x64xf32>
    %mul3A_23 = arith.mulf %concatenate3A, %mul3A : vector<1000x64xf32>
    %get3A_24 = arith.constant 0 : index
    %get3A_25 = arith.constant 0 : index
    %get3A_26 = vector.load %arg6[%get3A_24, %get3A_25] : memref<1x64xf32, #tpu.memory_space<vmem>>, vector<1x64xf32>
    %add3A_27 = vector.broadcast %get3A_26 : vector<1x64xf32> to vector<1000x64xf32>
    %add3A_28 = arith.addf %mul3A_23, %add3A_27 : vector<1000x64xf32>
    %iota3A = tpu.iota {dimensions = array<i32: 1>} : vector<1000x64xi32>
    %lt3A = arith.constant 40 : i32
    %lt3A_29 = vector.broadcast %lt3A : i32 to vector<1000x64xi32>
    %lt3A_30 = arith.cmpi slt, %iota3A, %lt3A_29 : vector<1000x64xi32>
    %jit3A = arith.constant 0xFF800000 : f32
    %broadcast_in_dim3A = vector.broadcast %jit3A : f32 to vector<1000x64xf32>
    %select_n3A = arith.select %lt3A_30, %add3A_28, %broadcast_in_dim3A : vector<1000x64xi1>, vector<1000x64xf32>
    %reduce_max3A = arith.constant dense<0xFF800000> : vector<1000xf32>
    %reduce_max3A_31 = vector.multi_reduction <maximumf>, %select_n3A, %reduce_max3A [1] : vector<1000x64xf32> to vector<1000xf32>
    %broadcast_in_dim3A_32 = vector.shape_cast %reduce_max3A_31 : vector<1000xf32> to vector<1000x1xf32>
    %sub3A = vector.broadcast %broadcast_in_dim3A_32 : vector<1000x1xf32> to vector<1000x64xf32>
    %sub3A_33 = arith.subf %add3A_28, %sub3A : vector<1000x64xf32>
    %exp3A = math.exp %sub3A_33 : vector<1000x64xf32>
    %jit3A_34 = arith.constant 0.000000e+00 : f32
    %broadcast_in_dim3A_35 = vector.broadcast %jit3A_34 : f32 to vector<1000x64xf32>
    %select_n3A_36 = arith.select %lt3A_30, %exp3A, %broadcast_in_dim3A_35 : vector<1000x64xi1>, vector<1000x64xf32>
    %reduce_sum3A = arith.constant dense<0.000000e+00> : vector<1000xf32>
    %reduce_sum3A_37 = vector.multi_reduction <add>, %select_n3A_36, %reduce_sum3A [1] : vector<1000x64xf32> to vector<1000xf32>
    %broadcast_in_dim3A_38 = vector.shape_cast %reduce_sum3A_37 : vector<1000xf32> to vector<1000x1xf32>
    %sub3A_39 = vector.broadcast %broadcast_in_dim3A_32 : vector<1000x1xf32> to vector<1000x64xf32>
    %sub3A_40 = arith.subf %add3A_28, %sub3A_39 : vector<1000x64xf32>
    %log3A = math.log %broadcast_in_dim3A_38 : vector<1000x1xf32>
    %sub3A_41 = vector.broadcast %log3A : vector<1000x1xf32> to vector<1000x64xf32>
    %sub3A_42 = arith.subf %sub3A_40, %sub3A_41 : vector<1000x64xf32>
    %slice3A = vector.extract_strided_slice %sub3A_42 {offsets = [0, 0], sizes = [1000, 40], strides = [1, 1]} : vector<1000x64xf32> to vector<1000x40xf32>
    %swap3A = arith.constant 0 : index
    %swap3A_43 = arith.constant 0 : index
    %swap3A_44 = vector.load %arg7[%swap3A, %swap3A_43] : memref<1000x40xf32, #tpu.memory_space<vmem>>, vector<1000x40xf32>
    tpu.vector_store %arg7[%swap3A, %swap3A_43], %slice3A {strides = array<i32>} : memref<1000x40xf32, #tpu.memory_space<vmem>>, vector<1000x40xf32>,
    return
  }
  func.func @transform_0(%arg0: i32) -> (i32, i32, i32) {
    %c0_i32 = arith.constant 0 : i32
    %c0_i32_0 = arith.constant 0 : i32
    %c0_i32_1 = arith.constant 0 : i32
    return %c0_i32, %arg0, %c0_i32_0 : i32, i32, i32
  }
  func.func @transform_1(%arg0: i32) -> (i32, i32, i32) {
    %c1_i32 = arith.constant 1 : i32
    %c0_i32 = arith.constant 0 : i32
    %c0_i32_0 = arith.constant 0 : i32
    return %c1_i32, %arg0, %c0_i32 : i32, i32, i32
  }
  func.func @transform_2(%arg0: i32) -> (i32, i32, i32) {
    %c0_i32 = arith.constant 0 : i32
    %c0_i32_0 = arith.constant 0 : i32
    %c0_i32_1 = arith.constant 0 : i32
    return %c0_i32, %arg0, %c0_i32_0 : i32, i32, i32
  }
  func.func @transform_3(%arg0: i32) -> (i32, i32, i32) {
    %c1_i32 = arith.constant 1 : i32
    %c0_i32 = arith.constant 0 : i32
    %c0_i32_0 = arith.constant 0 : i32
    return %c1_i32, %arg0, %c0_i32 : i32, i32, i32
  }
  func.func @transform_4(%arg0: i32) -> (i32, i32) {
    %c0_i32 = arith.constant 0 : i32
    %c0_i32_0 = arith.constant 0 : i32
    return %arg0, %c0_i32 : i32, i32
  }
  func.func @transform_5(%arg0: i32) -> (i32, i32) {
    %c0_i32 = arith.constant 0 : i32
    %c0_i32_0 = arith.constant 0 : i32
    %c0_i32_1 = arith.constant 0 : i32
    return %c0_i32, %c0_i32_0 : i32, i32
  }
  func.func @transform_6(%arg0: i32) -> (i32, i32) {
    %c0_i32 = arith.constant 0 : i32
    %c0_i32_0 = arith.constant 0 : i32
    return %arg0, %c0_i32 : i32, i32
  }
}

</mosaic_0001>

<sc_bundles>
// kernel: kernel.11.cloned.1.call-start
scs
__scs_entry_jumppad:
0x0: {  	(pc) =	sbr.rel $0x88, $3  }
0x1: {  	(tag) =	ssettag $0x0;
	lr =	simm.s32 $0x1  }
0x2: {  	[smem:$0x3F9B] =	sst lr;
	_ =	strace $0xD0000000  }
0x3: {  	_ = 	snop  }
0x4: {  	_ = 	snop  }
0x5: {  	_ = 	snop  }
0x6: {  	_ = 	snop  }
0x7: {  	_ = 	snop  }
__scs_overlays_trampoline_lowered:
0x8: {  	[smem:$0x3FAA] =	sst s0  }
0x9: {  	[smem:$0x3FAB] =	sst s1  }
0xa: {  	[smem:$0x3FAC] =	sst s2  }
0xb: {  	[smem:$0x3FAD] =	sst s3  }
0xc: {  	[smem:$0x3FAE] =	sst s4  }
0xd: {  	[smem:$0x3FAF] =	sst s5  }
0xe: {  	[smem:$0x3FB0] =	sst s6  }
0xf: {  	[smem:$0x3FB1] =	sst s7  }
0x10: {  	[smem:$0x3FB2] =	sst s8  }
0x11: {  	[smem:$0x3FB3] =	sst s9;
	s0 =	simm.s32 @!p0 $0x0  }
0x12: {  	s1 =	sld [smem:$0x3F99];
	s0 =	simm.s32 @p0 $0x1  }
0x13: {  	[smem:$0x3FB4] =	sst s0;
	s0 =	simm.s32 @!p1 $0x0  }
0x14: {  	s2 =	sld [smem:$0x3F98];
	s0 =	simm.s32 @p1 $0x1  }
0x15: {  	[smem:$0x3FB5] =	sst s0;
	s0 =	simm.s32 @!p2 $0x0  }
0x16: {  	s3 =	sld [smem:$0x3FDB];
	s0 =	simm.s32 @p2 $0x1  }
0x17: {  	s4 =	simm.s32 $0x1BF5;
	[smem:$0x3FB7] =	sst s0  }
0x18: {  	s0 =	sld [smem:$0x3F9A];
	_ =	swait.ge [sflag:s4], $0x0  }
0x19: {  	s7 =	sld [smem:$0x3F9B]  }
0x1a: {  	s8 =	sadd.s32 $0xFFFFE003, lr  }
0x1b: {  	s9 =	sadd.s32 $0xFFFFFEF7, lr;
	s5 =	simm.s32 $0xFFFFFFFF;
	p2 =	slt.u32 s8, $0xFFFFF086  }
0x1c: {  	p1 =	slt.u32 s9, $0xF7A;
	s5 =	simm.s32 @!p2 $0x0  }
0x1d: {  	s5 =	simm.s32 @p1 $0x1;
	p0 =	seq.s32 s7, s2  }
0x1e: {  	s7 =	smul.u32 @!p0 $0xF7A, s2;
	p2 =	seq.s32 @!p0 s5, $0x0  }
0x1f: {  	s9 =	smul.u32 $0xF7A, s1;
	s8 =	simm.s32 @!p0 $0x1BF5;
	p2 =	por !p2, p0  }
0x20: {  	[sflag:s8] =	ssyncset.s32 @!p0 $0xFFFFF086;
	s6 =	sadd.s32 @!p0 s3, s7;
	s7 =	simm.s32 @!p0 $0x108  }
0x21: {  	s3 =	sadd.s32 s3, s9;
	s6 =	sadd.s32 @!p0 $0x88, s6;
	s7 =	simm.s32 @p2 $0x1082  }
0x22: {  	[simem:s7], [sflag:s8] =	dma.local @!p0 [hbm:s6], $0xF7A  }
0x23: {  	s9 =	sor.u32 $0xD0000000, s2;
	s6 =	simm.s32 $0x108;
	_ =	swait.ge @!p0 [sflag:s8], $0x0  }
0x24: {  	s3 =	sadd.s32 $0x88, s3;
	s6 =	simm.s32 @!p1 $0x1082;
	[sflag:s4] =	ssyncset.s32 $0xFFFFF086  }
0x25: {  	[simem:s6], [sflag:s4] =	dma.local [hbm:s3], $0xF7A  }
0x26: {  	[smem:$0x3F9B] =	sst s1;
	(tag) =	ssettag s2;
	_ =	strace s9  }
0x27: {  	s1 =	sld [smem:$0x3FAB]  }
0x28: {  	s2 =	sld [smem:$0x3FAC]  }
0x29: {  	s4 =	sld [smem:$0x3FAE]  }
0x2a: {  	p0 =	seq.s32 s5, $0x0;
	s5 =	sld [smem:$0x3FAF]  }
0x2b: {  	s6 =	sld [smem:$0x3FB0]  }
0x2c: {  	s7 =	sld [smem:$0x3FB1]  }
0x2d: {  	s3 =	simm.s32 $0x108;
	s8 =	sld [smem:$0x3FB2]  }
0x2e: {  	s3 =	simm.s32 @!p0 $0x1082;
	s9 =	sld [smem:$0x3FB3]  }
0x2f: {  	lr =	sadd.s32 s0, s3;
	s0 =	sld [smem:$0x3FAA]  }
0x30: {  	s3 =	sld [smem:$0x3FAD]  }
0x31: {  	[smem:$0x3FB6] =	sst s10  }
0x32: {  	s10 =	sld [smem:$0x3FB4];
	_ =	sdelay $0x3  }
0x33: {  	p0 =	seq.s32 s10, $0x1;
	s10 =	sld [smem:$0x3FB6];
	_ =	sdelay $0x3  }
0x34: {  	[smem:$0x3FB6] =	sst s10  }
0x35: {  	s10 =	sld [smem:$0x3FB5];
	_ =	sdelay $0x3  }
0x36: {  	p1 =	seq.s32 s10, $0x1;
	s10 =	sld [smem:$0x3FB6];
	_ =	sdelay $0x3  }
0x37: {  	[smem:$0x3FB6] =	sst s10  }
0x38: {  	s10 =	sld [smem:$0x3FB7]  }
0x39: {  	_ = 	snop;
	(pc) =	sbr.ind lr, $3  }
0x3a: {  	_ = 	snop  }
0x3b: {  	_ = 	snop  }
0x3c: {  	p2 =	seq.s32 s10, $0x1;
	s10 =	sld [smem:$0x3FB6]  }
0x3d: {  	_ =	shalt  }
0x3e: {  	_ =	shalt  }
0x3f: {  	_ =	shalt  }
0x40: {  	_ =	shalt  }
0x41: {  	_ =	shalt  }
0x42: {  	_ =	shalt  }
0x43: {  	_ =	shalt  }
0x44: {  	_ =	shalt  }
0x45: {  	_ =	shalt  }
0x46: {  	_ =	shalt  }
0x47: {  	_ =	shalt  }
0x48: {  	_ =	shalt  }
0x49: {  	_ =	shalt  }
0x4a: {  	_ =	shalt  }
0x4b: {  	_ =	shalt  }
0x4c: {  	_ =	shalt  }
0x4d: {  	_ =	shalt  }
0x4e: {  	_ =	shalt  }
0x4f: {  	_ =	shalt  }
0x50: {  	_ =	shalt  }
0x51: {  	_ =	shalt  }
0x52: {  	_ =	shalt  }
0x53: {  	_ =	shalt  }
0x54: {  	_ =	shalt  }
0x55: {  	_ =	shalt  }
0x56: {  	_ =	shalt  }
0x57: {  	_ =	shalt  }
0x58: {  	_ =	shalt  }
0x59: {  	_ =	shalt  }
0x5a: {  	_ =	shalt  }
0x5b: {  	_ =	shalt  }
0x5c: {  	_ =	shalt  }
0x5d: {  	_ =	shalt  }
0x5e: {  	_ =	shalt  }
0x5f: {  	_ =	shalt  }
0x60: {  	_ =	shalt  }
0x61: {  	_ =	shalt  }
0x62: {  	_ =	shalt  }
0x63: {  	_ =	shalt  }
0x64: {  	_ =	shalt  }
0x65: {  	_ =	shalt  }
0x66: {  	_ =	shalt  }
0x67: {  	_ =	shalt  }
0x68: {  	_ =	shalt  }
0x69: {  	_ =	shalt  }
0x6a: {  	_ =	shalt  }
0x6b: {  	_ =	shalt  }
0x6c: {  	_ =	shalt  }
0x6d: {  	_ =	shalt  }
0x6e: {  	_ =	shalt  }
0x6f: {  	_ =	shalt  }
0x70: {  	_ =	shalt  }
0x71: {  	_ =	shalt  }
0x72: {  	_ =	shalt  }
0x73: {  	_ =	shalt  }
0x74: {  	_ =	shalt  }
0x75: {  	_ =	shalt  }
0x76: {  	_ =	shalt  }
0x77: {  	_ =	shalt  }
0x78: {  	_ =	shalt  }
0x79: {  	_ =	shalt  }
0x7a: {  	_ =	shalt  }
0x7b: {  	_ =	shalt  }
0x7c: {  	_ =	shalt  }
0x7d: {  	_ =	shalt  }
0x7e: {  	_ =	shalt  }
0x7f: {  	_ =	shalt  }
0x80: {  	_ =	shalt  }
0x81: {  	_ =	shalt  }
0x82: {  	_ =	shalt  }
0x83: {  	_ =	shalt  }
0x84: {  	_ =	shalt  }
0x85: {  	_ =	shalt  }
0x86: {  	_ =	shalt  }
0x87: {  	_ =	shalt  }
.Lfunc_end0:
.L_simem_size_0:
called_computation.1_lowered:
.L_overlay_start_0:
0x88: {  	s2 =	sld [smem:$0x3FD9]  }
0x89: {  	s3 =	sld [smem:$0x3FFE];
	_ =	sdelay $0x1  }
0x8a: {  	s1 =	srdreg.scid  }
0x8b: {  	s0 =	sand.u32 $0x1, s1  }
0x8c: {  	s17 =	sshll.u32 s0, $0xA;
	s2 =	sadd.s32 s3, s2  }
0x8d: {  	s2 =	sadd.s32 s2, s17  }
0x8e: {  	[smem:$0x3FC2] =	sst s2  }
0x8f: {  	_ = 	snop  }
0x90: {  	s2 =	sld [smem:$0x3FD0];
	(tm) =	ssettm $0x1  }
0x91: {  	s18 =	sld [smem:$0x3FFB];
	_ =	sdelay $0x3  }
0x92: {  	_ =	strace s18  }
0x93: {  	s3 =	sld [smem:$0x3FFC];
	_ =	sdelay $0x3  }
0x94: {  	_ =	strace s3  }
0x95: {  	s3 =	sld [smem:$0x3FFD];
	_ =	sdelay $0x3  }
0x96: {  	_ =	strace s3  }
0x97: {  	_ =	strace $0x8FFFFFFF  }
0x98: {  	s19 =	sld [smem:$0x3FDB];
	_ =	sdelay $0x1  }
0x99: {  	s4 =	simm.s32 $_scs_section_size  }
0x9a: {  	s5 =	simm.s32 $_size__tile_overlayer_lowered;
	s6 =	simm.s32 $_tile_overlayer_lowered  }
0x9b: {  	s22 =	simm.s32 $0x1BFF;
	s21 =	sshll.u32 s6, $0x1;
	s3 =	sadd.s32 s4, s19  }
0x9c: {  	s7 =	simm.s32 $0x0;
	s20 =	sshll.u32 s5, $0x1;
	s5 =	sadd.s32 s21, s3  }
0x9d: {  	[timem:s7], [sflag:s22] =	dma.local [hbm:s5], s20  }
0x9e: {  	_ =	swait.ge [sflag:s22], s20  }
0x9f: {  	s4 =	ssub.s32 $0x0, s20;
	[sflag:s22] =	ssyncset.done $0x0  }
0xa0: {  	[sflag:s22] =	ssyncadd.s32 s4;
	_ =	sdelay $0x1  }
0xa1: {  	s23 =	simm.s32 $0x1B8B  }
0xa2: {  	_ =	swait.ge [sflag:s23], $0x1  }
0xa3: {  	[sflag:s23] =	ssyncset.done $0x0  }
0xa4: {  	s25 =	simm.s32 $0x1B8E;
	s24 =	sld [smem:$0x3FFE];
	[sflag:s23] =	ssyncadd.s32 $0xFFFFFFFF  }
0xa5: {  	s26 =	simm.s32 $execute0_lowered;
	[smem:$0x3FD2] =	sst s25  }
0xa6: {  	s5 =	sshll.u32 s26, $0x1;
	_ =	strace $0x80000049;
	[dreg:$0x1] =	wrdreg $0xFFFFFFFF  }
0xa7: {  	s28 =	simm.s32 $_size_execute0_lowered;
	s3 =	sadd.s32 s3, s5;
	[dreg:$0x0] =	wrdreg $0x0  }
0xa8: {  	s5 =	sshll.u32 s28, $0x1;
	[dreg:$0x2] =	wrdreg s3  }
0xa9: {  	[dreg:$0x3] =	wrdreg s5  }
0xaa: {  	[dreg:$0x4] =	wrdreg $0xC0  }
0xab: {  	_ =	task [dreg:s7], $0x5FFFF  }
0xac: {  	[dreg:$0x1] =	wrdreg $0xFFFFFFFF  }
0xad: {  	[dreg:$0x0] =	wrdreg $0x60  }
0xae: {  	[dreg:$0x2] =	wrdreg s24  }
0xaf: {  	[dreg:$0x3] =	wrdreg s2  }
0xb0: {  	[dreg:$0x4] =	wrdreg $0xDE000  }
0xb1: {  	[dreg:$0x5] =	wrdreg $0x9  }
0xb2: {  	_ =	task.clear_ibuf [dreg:s7], $0x6FFFF;
	_ =	strace $0x90000049  }
0xb3: {  	s29 =	simm.s32 $0x9;
	_ =	strace $0x8000004B  }
0xb4: {  	_ =	swait.ge [sflag:s29], $0x1  }
0xb5: {  	[sflag:s29] =	ssyncadd.s32 $0xFFFFFFFF  }
0xb6: {  	_ =	strace $0x9000004B  }
0xb7: {  	_ =	sfence  }
0xb8: {  	s30 =	sld [smem:$0x0];
	_ =	sdelay $0x2  }
0xb9: {  	s31 =	sshll.u32 s1, $0xD;
	s1 =	sshrl.u32 s1, $0x2  }
0xba: {  	s3 =	sand.u32 $0x4000, s31;
	s1 =	sadd.s32 s1, s30  }
0xbb: {  	s0 =	sor.u32 s3, s0;
	s1 =	sshll.u32 s1, $0x11  }
0xbc: {  	s0 =	sor.u32 s1, s0  }
0xbd: {  	s0 =	sadd.s32 $0x8F2B, s0  }
0xbe: {  	[sflag:s0] =	ssyncadd.remote.s32 $0x1  }
0xbf: {  	_ =	sfence.sel $0xFFFF  }
0xc0: {  	[dreg:$0x0] =	wrdreg $0xFFFFFFFF;
	(pc) =	sbr.abs _section_cstart, $3  }
0xc1: {  	[dreg:$0x1] =	wrdreg $0xFFFFFFFF  }
0xc2: {  	_ =	task.clear_ibuf [dreg:s7], $0x2FFFF;
	_ =	strace $0x9FFFFFFF  }
0xc3: {  	(tm) =	ssettm $0x7FFFFFFF  }
tec
execute0_lowered:
.L_overlay_start_1:
0x0: {  	(tag) =	ssettag $0x1  }
0x1: {  	s5 =	rddreg [dreg:$0x0]  }
0x2: {  	s2 =	rddreg [dreg:$0x1]  }
0x3: {  	s3 =	rddreg [dreg:$0x2]  }
0x4: {  	s0 =	srdreg.scid;
	s1 =	rddreg [dreg:$0x3]  }
0x5: {  	s4 =	simm.s32 $0x0;
	s12 =	simm.s32 $0x80;
	s13 =	simm.s32 $0x9E00  }
0x6: {  	s14 =	simm.s32 $0x100;
	s15 =	simm.s32 $0xBE00;
	s16 =	simm.s32 $0x1  }
0x7: {  	s17 =	simm.s32 $0x3;
	s18 =	simm.s32 $0x200;
	s19 =	simm.s32 $0x2  }
0x8: {  	s20 =	simm.s32 $0x180;
	s21 =	simm.s32 $0x4;
	s22 =	simm.s32 $0x9D00  }
0x9: {  	s23 =	simm.s32 $0x9C80;
	s24 =	simm.s32 $0x9D80;
	s6 =	sand.u32 $0x1, s0  }
0xa: {  	s25 =	simm.s32 $0x0;
	s0 =	stileid.u32;
	s7 =	smul.u32 $0x9E000, s6  }
0xb: {  	[smem:$0x7FF] =	sst s4;
	s8 =	smul.u32 $0x9E00, s0;
	s6 =	ssub.s32 $0x2, s6  }
0xc: {  	_ =	strace $0x8000004A;
	s10 =	sshll.u32 s0, $0x6;
	s9 =	sshrl.u32 s6, $0x1  }
0xd: {  	s10 =	sor.u32 $0x1C05, s10;
	s7 =	sadd.s32 s8, s7;
	s9 =	ssub.s32 s6, s9  }
0xe: {  	s11 =	sadd.s32 s8, s3;
	s7 =	sshrl.u32 s7, $0x3;
	s8 =	smax.u32 s9, $0x1  }
0xf: {  	s9 =	simm.s32 $0x5;
	s11 =	sshrl.u32 s11, $0x3;
	s7 =	sadd.s32 s7, s5  }
0x10: {  	s5 =	sadd.s32 $0xA9600, s5;
	s6 =	sadd.s32 $0xCA00, s7;
	s7 =	sadd.s32 $0xD0800, s7  }
.LBB2_1:
0x11: {  	[tilespmem:s4], [sflag:$0x5] =	stream.linear.gather [hbm4b:s6+s4], $0x9E00, $0x38;
	[tilespmem:$0x17C00] =	vst v63  }
0x12: {  	_ =	swait.ge [sflag:s9], $0x9E00  }
0x13: {  	[sflag:s9] =	ssyncset.done $0x0  }
0x14: {  	[sflag:s9] =	ssyncadd.s32 $0xFFFF6200  }
0x15: {  	[spmem:s11], [sflag:s10] =	dma.local [hbm:s2], $0x13C0  }
0x16: {  	_ =	swait.ge [sflag:s9], $0x13C0  }
0x17: {  	[sflag:s9] =	ssyncset.done $0x0  }
0x18: {  	[sflag:s9] =	ssyncadd.s32 $0xFFFFEC40  }
0x19: {  	[bflag:$0x0] =	sbarrier.arrive $0xFFFF  }
0x1a: {  	[tilespmem:s13], [sflag:$0x1] =	stream.indirect.gather [hbm4b:s5+s12], $0x40, s4, s12, $0xb8;
	[tilespmem:$0x17C00] =	vst v63  }
0x1b: {  	_ = 	snop  }
0x1c: {  	[tilespmem:s15], [sflag:$0x2] =	stream.indirect.gather [hbm4b:s5+s12], $0x40, s14, s12, $0xb8;
	[tilespmem:$0x17C00] =	vst v63  }
0x1d: {  	_ =	swait.ge [sflag:s16], $0x2000  }
0x1e: {  	[sflag:s16] =	ssyncset.done $0x0  }
0x1f: {  	[sflag:s16] =	ssyncadd.s32 $0xFFFFE000  }
0x20: {  	[spmem:s3] =	stream.indirect.scatter.add.f32 [tilespmem:s13], [sflag:$0x3], $0x40, s12, s12, $0xb8;
	[tilespmem:$0x17C00] =	vst v63  }
0x21: {  	_ =	swait.ge [sflag:s17], $0x2000  }
0x22: {  	[sflag:s17] =	ssyncset.done $0x0  }
0x23: {  	[sflag:s17] =	ssyncadd.s32 $0xFFFFE000  }
0x24: {  	[tilespmem:s13], [sflag:$0x1] =	stream.indirect.gather [hbm4b:s5+s12], $0x40, s18, s12, $0xb8;
	[tilespmem:$0x17C00] =	vst v63  }
0x25: {  	_ =	swait.ge [sflag:s19], $0x2000  }
0x26: {  	[sflag:s19] =	ssyncset.done $0x0  }
0x27: {  	[sflag:s19] =	ssyncadd.s32 $0xFFFFE000  }
0x28: {  	[spmem:s3] =	stream.indirect.scatter.add.f32 [tilespmem:s15], [sflag:$0x4], $0x40, s20, s12, $0xb8;
	[tilespmem:$0x17C00] =	vst v63  }
0x29: {  	_ =	swait.ge [sflag:s21], $0x2000  }
0x2a: {  	[sflag:s21] =	ssyncset.done $0x0  }
0x2b: {  	s26 =	simm.s32 $0x300;
	[sflag:s21] =	ssyncadd.s32 $0xFFFFE000  }
0x2c: {  	[tilespmem:s15], [sflag:$0x2] =	stream.indirect.gather [hbm4b:s5+s12], $0x40, s26, s12, $0xb8;
	[tilespmem:$0x17C00] =	vst v63  }
0x2d: {  	_ =	swait.ge [sflag:s16], $0x2000  }
0x2e: {  	[sflag:s16] =	ssyncset.done $0x0  }
0x2f: {  	s30 =	simm.s32 $0x280;
	[sflag:s16] =	ssyncadd.s32 $0xFFFFE000  }
0x30: {  	[spmem:s3] =	stream.indirect.scatter.add.f32 [tilespmem:s13], [sflag:$0x3], $0x40, s30, s12, $0xb8;
	[tilespmem:$0x17C00] =	vst v63  }
0x31: {  	_ =	swait.ge [sflag:s17], $0x2000  }
0x32: {  	[sflag:s17] =	ssyncset.done $0x0  }
0x33: {  	s31 =	simm.s32 $0x400;
	[sflag:s17] =	ssyncadd.s32 $0xFFFFE000  }
0x34: {  	[tilespmem:s13], [sflag:$0x1] =	stream.indirect.gather [hbm4b:s5+s12], $0x40, s31, s12, $0xb8;
	[tilespmem:$0x17C00] =	vst v63  }
0x35: {  	_ =	swait.ge [sflag:s19], $0x2000  }
0x36: {  	[sflag:s19] =	ssyncset.done $0x0  }
0x37: {  	s28 =	simm.s32 $0x380;
	s26 =	simm.s32 $0xFFFDA000;
	[sflag:s19] =	ssyncadd.s32 $0xFFFFE000  }
.LBB2_2:
0x38: {  	[spmem:s3] =	stream.indirect.scatter.add.f32 [tilespmem:s15], [sflag:$0x4], $0x40, s28, s12, $0xb8;
	[tilespmem:$0x17C00] =	vst v63  }
0x39: {  	s28 =	smov.u32 s26  }
0x3a: {  	p0 =	sne.s32 s26, $0xFFFFF800;
	s26 =	sadd.s32 $0x800, s26;
	_ =	swait.ge [sflag:s21], $0x2000  }
0x3b: {  	s28 =	sshra.s32 s28, $0x2;
	[sflag:s21] =	ssyncset.done $0x0  }
0x3c: {  	s29 =	sadd.s32 $0x9D00, s28;
	[sflag:s21] =	ssyncadd.s32 $0xFFFFE000  }
0x3d: {  	[tilespmem:s15], [sflag:$0x2] =	stream.indirect.gather [hbm4b:s5+s12], $0x40, s29, s12, $0xb8;
	[tilespmem:$0x17C00] =	vst v63  }
0x3e: {  	_ =	swait.ge [sflag:s16], $0x2000  }
0x3f: {  	[sflag:s16] =	ssyncset.done $0x0  }
0x40: {  	s29 =	sadd.s32 $0x9C80, s28;
	[sflag:s16] =	ssyncadd.s32 $0xFFFFE000  }
0x41: {  	[spmem:s3] =	stream.indirect.scatter.add.f32 [tilespmem:s13], [sflag:$0x3], $0x40, s29, s12, $0xb8;
	[tilespmem:$0x17C00] =	vst v63  }
0x42: {  	_ =	swait.ge [sflag:s17], $0x2000  }
0x43: {  	[sflag:s17] =	ssyncset.done $0x0  }
.Ltmp0:
0x44: {  	s29 =	sadd.s32 $0x9E00, s28;
	[sflag:s17] =	ssyncadd.s32 $0xFFFFE000;
	(pc) =	sbr.rel @p0 .LBB2_2-.Ltmp0, $4  }
0x45: {  	[tilespmem:s13], [sflag:$0x1] =	stream.indirect.gather [hbm4b:s5+s12], $0x40, s29, s12, $0xb8;
	[tilespmem:$0x17C00] =	vst v63  }
0x46: {  	_ =	swait.ge [sflag:s19], $0x2000  }
0x47: {  	[sflag:s19] =	ssyncset.done $0x0  }
0x48: {  	s28 =	sadd.s32 $0x9D80, s28;
	[sflag:s19] =	ssyncadd.s32 $0xFFFFE000  }
0x49: {  	[spmem:s3] =	stream.indirect.scatter.add.f32 [tilespmem:s15], [sflag:$0x4], $0x40, s28, s12, $0xb8;
	[tilespmem:$0x17C00] =	vst v63  }
0x4a: {  	_ =	swait.ge [sflag:s21], $0x2000  }
0x4b: {  	[sflag:s21] =	ssyncset.done $0x0  }
0x4c: {  	[sflag:s21] =	ssyncadd.s32 $0xFFFFE000  }
0x4d: {  	[tilespmem:s15], [sflag:$0x2] =	stream.indirect.gather [hbm4b:s5+s12], $0x40, s22, s12, $0xb8;
	[tilespmem:$0x17C00] =	vst v63  }
0x4e: {  	_ =	swait.ge [sflag:s16], $0x2000  }
0x4f: {  	[sflag:s16] =	ssyncset.done $0x0  }
0x50: {  	[sflag:s16] =	ssyncadd.s32 $0xFFFFE000  }
0x51: {  	[spmem:s3] =	stream.indirect.scatter.add.f32 [tilespmem:s13], [sflag:$0x3], $0x40, s23, s12, $0xb8;
	[tilespmem:$0x17C00] =	vst v63  }
0x52: {  	_ =	swait.ge [sflag:s17], $0x2000  }
0x53: {  	[sflag:s17] =	ssyncset.done $0x0  }
0x54: {  	[sflag:s17] =	ssyncadd.s32 $0xFFFFE000  }
0x55: {  	_ =	swait.ge [sflag:s19], $0x2000  }
0x56: {  	[sflag:s19] =	ssyncset.done $0x0  }
0x57: {  	[sflag:s19] =	ssyncadd.s32 $0xFFFFE000  }
0x58: {  	[spmem:s3] =	stream.indirect.scatter.add.f32 [tilespmem:s15], [sflag:$0x4], $0x40, s24, s12, $0xb8;
	[tilespmem:$0x17C00] =	vst v63  }
0x59: {  	_ =	swait.ge [sflag:s21], $0x2000  }
0x5a: {  	s25 =	sadd.s32 $0x1, s25;
	[sflag:s21] =	ssyncset.done $0x0  }
0x5b: {  	p0 =	sne.s32 s25, s8;
	[sflag:s21] =	ssyncadd.s32 $0xFFFFE000  }
.Ltmp1:
0x5c: {  	[bflag:$0x0] =	sbarrier.arrive $0xFFFF;
	(pc) =	sbr.rel @p0 .LBB2_1-.Ltmp1, $4  }
0x5d: {  	[hbm:s7], [sflag:s10] =	dma.local [spmem:s11], $0x13C0  }
0x5e: {  	_ =	swait.ge [sflag:s9], $0x13C0  }
0x5f: {  	[sflag:s9] =	ssyncset.done $0x0  }
0x60: {  	[sflag:s9] =	ssyncadd.s32 $0xFFFFEC40  }
0x61: {  	_ =	sfence.sel $0x180000  }
0x62: {  	[bflag:$0x0] =	sbarrier.arrive $0xFFFF  }
0x63: {  	p0 =	sne.s32 s0, $0x0;
	_ =	strace $0x9000004A  }
0x64: {  	s0 =	sadd.s32 @!p0 $0x100000, s1;
	[bflag:$0x2] =	sbarrier.arrive $0xFFFF  }
0x65: {  	[sflag:s0] =	ssyncadd.tile.s32 @!p0 $0x1;
	_ =	shalt  }
.Lfunc_end2:
_tile_overlayer_lowered:
.L_overlay_start_2:
0x66: {  	(tag) =	ssettag $0x2  }
0x67: {  	s0 =	rddreg [dreg:$0x0];
	s2 =	stileid.u32  }
0x68: {  	s1 =	rddreg [dreg:$0x1];
	p0 =	sne.s32 s2, $0x0  }
0x69: {  	s3 =	rddreg [dreg:$0x2];
	[bflag:$0x3] =	sbarrier.arrive $0xFFFF;
	s2 =	simm.s32 @!p0 $0x1C05  }
0x6a: {  	[timem:s3], [sflag:s2] =	dma.local @!p0 [hbm:s0], s1  }
0x6b: {  	s0 =	simm.s32 @!p0 $0x5  }
0x6c: {  	_ =	swait.ge @!p0 [sflag:s0], s1  }
0x6d: {  	s1 =	ssub.s32 @!p0 $0x0, s1;
	[sflag:s0] =	ssyncset.done @!p0 $0x0  }
0x6e: {  	[sflag:s0] =	ssyncadd.s32 @!p0 s1  }
0x6f: {  	[bflag:$0x3] =	sbarrier.arrive $0xFFFF  }
0x70: {  	_ =	shalt  }

// kernel: kernel.14.cloned.1.call-start
scs
__scs_entry_jumppad:
0x0: {  	(pc) =	sbr.rel $0x88, $3  }
0x1: {  	(tag) =	ssettag $0x0;
	lr =	simm.s32 $0x1  }
0x2: {  	[smem:$0x3F9B] =	sst lr;
	_ =	strace $0xD0000000  }
0x3: {  	_ = 	snop  }
0x4: {  	_ = 	snop  }
0x5: {  	_ = 	snop  }
0x6: {  	_ = 	snop  }
0x7: {  	_ = 	snop  }
__scs_overlays_trampoline_lowered:
0x8: {  	[smem:$0x3FAA] =	sst s0  }
0x9: {  	[smem:$0x3FAB] =	sst s1  }
0xa: {  	[smem:$0x3FAC] =	sst s2  }
0xb: {  	[smem:$0x3FAD] =	sst s3  }
0xc: {  	[smem:$0x3FAE] =	sst s4  }
0xd: {  	[smem:$0x3FAF] =	sst s5  }
0xe: {  	[smem:$0x3FB0] =	sst s6  }
0xf: {  	[smem:$0x3FB1] =	sst s7  }
0x10: {  	[smem:$0x3FB2] =	sst s8  }
0x11: {  	[smem:$0x3FB3] =	sst s9;
	s0 =	simm.s32 @!p0 $0x0  }
0x12: {  	s1 =	sld [smem:$0x3F99];
	s0 =	simm.s32 @p0 $0x1  }
0x13: {  	[smem:$0x3FB4] =	sst s0;
	s0 =	simm.s32 @!p1 $0x0  }
0x14: {  	s2 =	sld [smem:$0x3F98];
	s0 =	simm.s32 @p1 $0x1  }
0x15: {  	[smem:$0x3FB5] =	sst s0;
	s0 =	simm.s32 @!p2 $0x0  }
0x16: {  	s3 =	sld [smem:$0x3FDB];
	s0 =	simm.s32 @p2 $0x1  }
0x17: {  	s4 =	simm.s32 $0x1BF5;
	[smem:$0x3FB7] =	sst s0  }
0x18: {  	s0 =	sld [smem:$0x3F9A];
	_ =	swait.ge [sflag:s4], $0x0  }
0x19: {  	s7 =	sld [smem:$0x3F9B]  }
0x1a: {  	s8 =	sadd.s32 $0xFFFFE003, lr  }
0x1b: {  	s9 =	sadd.s32 $0xFFFFFEF7, lr;
	s5 =	simm.s32 $0xFFFFFFFF;
	p2 =	slt.u32 s8, $0xFFFFF086  }
0x1c: {  	p1 =	slt.u32 s9, $0xF7A;
	s5 =	simm.s32 @!p2 $0x0  }
0x1d: {  	s5 =	simm.s32 @p1 $0x1;
	p0 =	seq.s32 s7, s2  }
0x1e: {  	s7 =	smul.u32 @!p0 $0xF7A, s2;
	p2 =	seq.s32 @!p0 s5, $0x0  }
0x1f: {  	s9 =	smul.u32 $0xF7A, s1;
	s8 =	simm.s32 @!p0 $0x1BF5;
	p2 =	por !p2, p0  }
0x20: {  	[sflag:s8] =	ssyncset.s32 @!p0 $0xFFFFF086;
	s6 =	sadd.s32 @!p0 s3, s7;
	s7 =	simm.s32 @!p0 $0x108  }
0x21: {  	s3 =	sadd.s32 s3, s9;
	s6 =	sadd.s32 @!p0 $0x88, s6;
	s7 =	simm.s32 @p2 $0x1082  }
0x22: {  	[simem:s7], [sflag:s8] =	dma.local @!p0 [hbm:s6], $0xF7A  }
0x23: {  	s9 =	sor.u32 $0xD0000000, s2;
	s6 =	simm.s32 $0x108;
	_ =	swait.ge @!p0 [sflag:s8], $0x0  }
0x24: {  	s3 =	sadd.s32 $0x88, s3;
	s6 =	simm.s32 @!p1 $0x1082;
	[sflag:s4] =	ssyncset.s32 $0xFFFFF086  }
0x25: {  	[simem:s6], [sflag:s4] =	dma.local [hbm:s3], $0xF7A  }
0x26: {  	[smem:$0x3F9B] =	sst s1;
	(tag) =	ssettag s2;
	_ =	strace s9  }
0x27: {  	s1 =	sld [smem:$0x3FAB]  }
0x28: {  	s2 =	sld [smem:$0x3FAC]  }
0x29: {  	s4 =	sld [smem:$0x3FAE]  }
0x2a: {  	p0 =	seq.s32 s5, $0x0;
	s5 =	sld [smem:$0x3FAF]  }
0x2b: {  	s6 =	sld [smem:$0x3FB0]  }
0x2c: {  	s7 =	sld [smem:$0x3FB1]  }
0x2d: {  	s3 =	simm.s32 $0x108;
	s8 =	sld [smem:$0x3FB2]  }
0x2e: {  	s3 =	simm.s32 @!p0 $0x1082;
	s9 =	sld [smem:$0x3FB3]  }
0x2f: {  	lr =	sadd.s32 s0, s3;
	s0 =	sld [smem:$0x3FAA]  }
0x30: {  	s3 =	sld [smem:$0x3FAD]  }
0x31: {  	[smem:$0x3FB6] =	sst s10  }
0x32: {  	s10 =	sld [smem:$0x3FB4];
	_ =	sdelay $0x3  }
0x33: {  	p0 =	seq.s32 s10, $0x1;
	s10 =	sld [smem:$0x3FB6];
	_ =	sdelay $0x3  }
0x34: {  	[smem:$0x3FB6] =	sst s10  }
0x35: {  	s10 =	sld [smem:$0x3FB5];
	_ =	sdelay $0x3  }
0x36: {  	p1 =	seq.s32 s10, $0x1;
	s10 =	sld [smem:$0x3FB6];
	_ =	sdelay $0x3  }
0x37: {  	[smem:$0x3FB6] =	sst s10  }
0x38: {  	s10 =	sld [smem:$0x3FB7]  }
0x39: {  	_ = 	snop;
	(pc) =	sbr.ind lr, $3  }
0x3a: {  	_ = 	snop  }
0x3b: {  	_ = 	snop  }
0x3c: {  	p2 =	seq.s32 s10, $0x1;
	s10 =	sld [smem:$0x3FB6]  }
0x3d: {  	_ =	shalt  }
0x3e: {  	_ =	shalt  }
0x3f: {  	_ =	shalt  }
0x40: {  	_ =	shalt  }
0x41: {  	_ =	shalt  }
0x42: {  	_ =	shalt  }
0x43: {  	_ =	shalt  }
0x44: {  	_ =	shalt  }
0x45: {  	_ =	shalt  }
0x46: {  	_ =	shalt  }
0x47: {  	_ =	shalt  }
0x48: {  	_ =	shalt  }
0x49: {  	_ =	shalt  }
0x4a: {  	_ =	shalt  }
0x4b: {  	_ =	shalt  }
0x4c: {  	_ =	shalt  }
0x4d: {  	_ =	shalt  }
0x4e: {  	_ =	shalt  }
0x4f: {  	_ =	shalt  }
0x50: {  	_ =	shalt  }
0x51: {  	_ =	shalt  }
0x52: {  	_ =	shalt  }
0x53: {  	_ =	shalt  }
0x54: {  	_ =	shalt  }
0x55: {  	_ =	shalt  }
0x56: {  	_ =	shalt  }
0x57: {  	_ =	shalt  }
0x58: {  	_ =	shalt  }
0x59: {  	_ =	shalt  }
0x5a: {  	_ =	shalt  }
0x5b: {  	_ =	shalt  }
0x5c: {  	_ =	shalt  }
0x5d: {  	_ =	shalt  }
0x5e: {  	_ =	shalt  }
0x5f: {  	_ =	shalt  }
0x60: {  	_ =	shalt  }
0x61: {  	_ =	shalt  }
0x62: {  	_ =	shalt  }
0x63: {  	_ =	shalt  }
0x64: {  	_ =	shalt  }
0x65: {  	_ =	shalt  }
0x66: {  	_ =	shalt  }
0x67: {  	_ =	shalt  }
0x68: {  	_ =	shalt  }
0x69: {  	_ =	shalt  }
0x6a: {  	_ =	shalt  }
0x6b: {  	_ =	shalt  }
0x6c: {  	_ =	shalt  }
0x6d: {  	_ =	shalt  }
0x6e: {  	_ =	shalt  }
0x6f: {  	_ =	shalt  }
0x70: {  	_ =	shalt  }
0x71: {  	_ =	shalt  }
0x72: {  	_ =	shalt  }
0x73: {  	_ =	shalt  }
0x74: {  	_ =	shalt  }
0x75: {  	_ =	shalt  }
0x76: {  	_ =	shalt  }
0x77: {  	_ =	shalt  }
0x78: {  	_ =	shalt  }
0x79: {  	_ =	shalt  }
0x7a: {  	_ =	shalt  }
0x7b: {  	_ =	shalt  }
0x7c: {  	_ =	shalt  }
0x7d: {  	_ =	shalt  }
0x7e: {  	_ =	shalt  }
0x7f: {  	_ =	shalt  }
0x80: {  	_ =	shalt  }
0x81: {  	_ =	shalt  }
0x82: {  	_ =	shalt  }
0x83: {  	_ =	shalt  }
0x84: {  	_ =	shalt  }
0x85: {  	_ =	shalt  }
0x86: {  	_ =	shalt  }
0x87: {  	_ =	shalt  }
.Lfunc_end0:
.L_simem_size_0:
called_computation.2_lowered:
.L_overlay_start_0:
0x88: {  	s2 =	sld [smem:$0x3FD9]  }
0x89: {  	s3 =	sld [smem:$0x3FFE];
	_ =	sdelay $0x1  }
0x8a: {  	s1 =	srdreg.scid  }
0x8b: {  	s0 =	sand.u32 $0x1, s1  }
0x8c: {  	s17 =	sshll.u32 s0, $0xA;
	s2 =	sadd.s32 s3, s2  }
0x8d: {  	s2 =	sadd.s32 s2, s17  }
0x8e: {  	[smem:$0x3FC2] =	sst s2  }
0x8f: {  	_ = 	snop  }
0x90: {  	s2 =	sld [smem:$0x3FD0];
	(tm) =	ssettm $0x1  }
0x91: {  	s18 =	sld [smem:$0x3FFB];
	_ =	sdelay $0x3  }
0x92: {  	_ =	strace s18  }
0x93: {  	s3 =	sld [smem:$0x3FFC];
	_ =	sdelay $0x3  }
0x94: {  	_ =	strace s3  }
0x95: {  	s3 =	sld [smem:$0x3FFD];
	_ =	sdelay $0x3  }
0x96: {  	_ =	strace s3  }
0x97: {  	_ =	strace $0x8FFFFFFF  }
0x98: {  	s19 =	sld [smem:$0x3FDB];
	_ =	sdelay $0x1  }
0x99: {  	s4 =	simm.s32 $_scs_section_size  }
0x9a: {  	s5 =	simm.s32 $_size__tile_overlayer_lowered;
	s6 =	simm.s32 $_tile_overlayer_lowered  }
0x9b: {  	s22 =	simm.s32 $0x1BFF;
	s21 =	sshll.u32 s6, $0x1;
	s3 =	sadd.s32 s4, s19  }
0x9c: {  	s7 =	simm.s32 $0x0;
	s20 =	sshll.u32 s5, $0x1;
	s5 =	sadd.s32 s21, s3  }
0x9d: {  	[timem:s7], [sflag:s22] =	dma.local [hbm:s5], s20  }
0x9e: {  	_ =	swait.ge [sflag:s22], s20  }
0x9f: {  	s4 =	ssub.s32 $0x0, s20;
	[sflag:s22] =	ssyncset.done $0x0  }
0xa0: {  	[sflag:s22] =	ssyncadd.s32 s4;
	_ =	sdelay $0x1  }
0xa1: {  	s23 =	simm.s32 $0x1B8B  }
0xa2: {  	_ =	swait.ge [sflag:s23], $0x1  }
0xa3: {  	[sflag:s23] =	ssyncset.done $0x0  }
0xa4: {  	s25 =	simm.s32 $0x1B8E;
	s24 =	sld [smem:$0x3FFE];
	[sflag:s23] =	ssyncadd.s32 $0xFFFFFFFF  }
0xa5: {  	s26 =	simm.s32 $execute0_lowered;
	[smem:$0x3FD2] =	sst s25  }
0xa6: {  	s5 =	sshll.u32 s26, $0x1;
	_ =	strace $0x8000004C;
	[dreg:$0x1] =	wrdreg $0xFFFFFFFF  }
0xa7: {  	s28 =	simm.s32 $_size_execute0_lowered;
	s3 =	sadd.s32 s3, s5;
	[dreg:$0x0] =	wrdreg $0x0  }
0xa8: {  	s5 =	sshll.u32 s28, $0x1;
	[dreg:$0x2] =	wrdreg s3  }
0xa9: {  	[dreg:$0x3] =	wrdreg s5  }
0xaa: {  	[dreg:$0x4] =	wrdreg $0xC0  }
0xab: {  	_ =	task [dreg:s7], $0x5FFFF  }
0xac: {  	[dreg:$0x1] =	wrdreg $0xFFFFFFFF  }
0xad: {  	[dreg:$0x0] =	wrdreg $0x60  }
0xae: {  	[dreg:$0x2] =	wrdreg s24  }
0xaf: {  	[dreg:$0x3] =	wrdreg s2  }
0xb0: {  	[dreg:$0x4] =	wrdreg $0x10D000  }
0xb1: {  	[dreg:$0x5] =	wrdreg $0xBE000  }
0xb2: {  	[dreg:$0x6] =	wrdreg $0x9  }
0xb3: {  	_ =	task.clear_ibuf [dreg:s7], $0x7FFFF;
	_ =	strace $0x9000004C  }
0xb4: {  	s29 =	simm.s32 $0x9;
	_ =	strace $0x8000004E  }
0xb5: {  	_ =	swait.ge [sflag:s29], $0x1  }
0xb6: {  	[sflag:s29] =	ssyncadd.s32 $0xFFFFFFFF  }
0xb7: {  	_ =	strace $0x9000004E  }
0xb8: {  	_ =	sfence  }
0xb9: {  	s30 =	sld [smem:$0x0];
	_ =	sdelay $0x2  }
0xba: {  	s31 =	sshll.u32 s1, $0xD;
	s1 =	sshrl.u32 s1, $0x2  }
0xbb: {  	s3 =	sand.u32 $0x4000, s31;
	s1 =	sadd.s32 s1, s30  }
0xbc: {  	s0 =	sor.u32 s3, s0;
	s1 =	sshll.u32 s1, $0x11  }
0xbd: {  	s0 =	sor.u32 s1, s0  }
0xbe: {  	s0 =	sadd.s32 $0x8F2B, s0  }
0xbf: {  	[sflag:s0] =	ssyncadd.remote.s32 $0x1  }
0xc0: {  	_ =	sfence.sel $0xFFFF  }
0xc1: {  	[dreg:$0x0] =	wrdreg $0xFFFFFFFF;
	(pc) =	sbr.abs _section_cstart, $3  }
0xc2: {  	[dreg:$0x1] =	wrdreg $0xFFFFFFFF  }
0xc3: {  	_ =	task.clear_ibuf [dreg:s7], $0x2FFFF;
	_ =	strace $0x9FFFFFFF  }
0xc4: {  	(tm) =	ssettm $0x7FFFFFFF  }
0xc5: {  	_ =	shalt  }
tec
execute0_lowered:
.L_overlay_start_1:
0x0: {  	(tag) =	ssettag $0x1  }
0x1: {  	s6 =	rddreg [dreg:$0x0]  }
0x2: {  	s1 =	rddreg [dreg:$0x1]  }
0x3: {  	s3 =	rddreg [dreg:$0x2]  }
0x4: {  	s4 =	rddreg [dreg:$0x3]  }
0x5: {  	s0 =	srdreg.scid;
	s2 =	rddreg [dreg:$0x4];
	s5 =	simm.s32 $0x0  }
0x6: {  	s15 =	simm.s32 $0x9E00;
	s16 =	simm.s32 $0x100;
	s17 =	simm.s32 $0xAE00  }
0x7: {  	s18 =	simm.s32 $0x1;
	s19 =	simm.s32 $0x3;
	s7 =	sand.u32 $0x1, s0  }
0x8: {  	s20 =	simm.s32 $0x200;
	s0 =	stileid.u32;
	s8 =	smul.u32 $0x9C40, s7  }
0x9: {  	s21 =	simm.s32 $0x2;
	s22 =	simm.s32 $0x180;
	s9 =	smul.u32 $0x9C4, s0  }
0xa: {  	s23 =	simm.s32 $0x4;
	s24 =	simm.s32 $0x9D00;
	s10 =	smul.u32 $0x4F00, s0  }
0xb: {  	s25 =	simm.s32 $0x9C80;
	[smem:$0x7FF] =	sst s5;
	s11 =	smul.u32 $0x4F000, s7  }
0xc: {  	s28 =	simm.s32 $0x0;
	_ =	strace $0x8000004D;
	s26 =	smul.u32 $0x13C0, s0  }
0xd: {  	s7 =	ssub.s32 $0x2, s7;
	s12 =	smul.u32 $0x13880, s0;
	s31 =	sshll.u32 s0, $0x6  }
0xe: {  	s29 =	sshrl.u32 s7, $0x1;
	s8 =	sadd.s32 s9, s8;
	s11 =	sadd.s32 s10, s11  }
0xf: {  	s9 =	sadd.s32 s26, s6;
	s13 =	ssub.s32 s7, s29;
	s30 =	sshrl.u32 s12, $0x2  }
0x10: {  	s7 =	sor.u32 $0x1C05, s31;
	s14 =	sadd.s32 s10, s4;
	s26 =	simm.s32 $0x9D80  }
0x11: {  	s8 =	sadd.s32 s8, s6;
	s11 =	sshrl.u32 s11, $0x3;
	s12 =	sadd.s32 s30, s3  }
0x12: {  	s10 =	smax.u32 s13, $0x1;
	s13 =	sshrl.u32 s14, $0x3;
	s14 =	simm.s32 $0x80  }
0x13: {  	s11 =	sadd.s32 s11, s6;
	s6 =	sadd.s32 $0x34200, s8;
	s8 =	sadd.s32 $0xCA00, s9  }
0x14: {  	s9 =	sadd.s32 $0x47C00, s11;
	s11 =	sshrl.u32 s12, $0x3;
	s12 =	simm.s32 $0x5  }
.LBB2_1:
0x15: {  	[spmem:s11], [sflag:s7] =	dma.local [hbm:s6], $0x9C4  }
0x16: {  	_ =	swait.ge [sflag:s12], $0x9C4  }
0x17: {  	[sflag:s12] =	ssyncset.done $0x0  }
0x18: {  	[sflag:s12] =	ssyncadd.s32 $0xFFFFF63C  }
0x19: {  	[tilespmem:s5], [sflag:$0x5] =	stream.linear.gather [hbm4b:s8+s5], $0x9E00, $0x38;
	[tilespmem:$0x15B20] =	vst v63  }
0x1a: {  	_ =	swait.ge [sflag:s12], $0x9E00  }
0x1b: {  	[sflag:s12] =	ssyncset.done $0x0  }
0x1c: {  	[sflag:s12] =	ssyncadd.s32 $0xFFFF6200  }
0x1d: {  	[spmem:s13], [sflag:s7] =	dma.local [hbm:s1], $0x9E0  }
0x1e: {  	_ =	swait.ge [sflag:s12], $0x9E0  }
0x1f: {  	[sflag:s12] =	ssyncset.done $0x0  }
0x20: {  	[sflag:s12] =	ssyncadd.s32 $0xFFFFF620  }
0x21: {  	[bflag:$0x0] =	sbarrier.arrive $0xFFFF  }
0x22: {  	[tilespmem:s15], [sflag:$0x1] =	stream.indirect.gather [spmem:s3], $0x20, s5, s14, $0xb8;
	[tilespmem:$0x15B20] =	vst v63  }
0x23: {  	_ = 	snop  }
0x24: {  	[tilespmem:s17], [sflag:$0x2] =	stream.indirect.gather [spmem:s3], $0x20, s16, s14, $0xb8;
	[tilespmem:$0x15B20] =	vst v63  }
0x25: {  	_ =	swait.ge [sflag:s18], $0x1000  }
0x26: {  	[sflag:s18] =	ssyncset.done $0x0  }
0x27: {  	[sflag:s18] =	ssyncadd.s32 $0xFFFFF000  }
0x28: {  	[spmem:s4] =	stream.indirect.scatter.add.f32 [tilespmem:s15], [sflag:$0x3], $0x20, s14, s14, $0xb8;
	[tilespmem:$0x15B20] =	vst v63  }
0x29: {  	_ =	swait.ge [sflag:s19], $0x1000  }
0x2a: {  	[sflag:s19] =	ssyncset.done $0x0  }
0x2b: {  	[sflag:s19] =	ssyncadd.s32 $0xFFFFF000  }
0x2c: {  	[tilespmem:s15], [sflag:$0x1] =	stream.indirect.gather [spmem:s3], $0x20, s20, s14, $0xb8;
	[tilespmem:$0x15B20] =	vst v63  }
0x2d: {  	_ =	swait.ge [sflag:s21], $0x1000  }
0x2e: {  	[sflag:s21] =	ssyncset.done $0x0  }
0x2f: {  	[sflag:s21] =	ssyncadd.s32 $0xFFFFF000  }
0x30: {  	[spmem:s4] =	stream.indirect.scatter.add.f32 [tilespmem:s17], [sflag:$0x4], $0x20, s22, s14, $0xb8;
	[tilespmem:$0x15B20] =	vst v63  }
0x31: {  	_ =	swait.ge [sflag:s23], $0x1000  }
0x32: {  	[sflag:s23] =	ssyncset.done $0x0  }
0x33: {  	s29 =	simm.s32 $0x300;
	[sflag:s23] =	ssyncadd.s32 $0xFFFFF000  }
0x34: {  	[tilespmem:s17], [sflag:$0x2] =	stream.indirect.gather [spmem:s3], $0x20, s29, s14, $0xb8;
	[tilespmem:$0x15B20] =	vst v63  }
0x35: {  	_ =	swait.ge [sflag:s18], $0x1000  }
0x36: {  	[sflag:s18] =	ssyncset.done $0x0  }
0x37: {  	s29 =	simm.s32 $0x280;
	[sflag:s18] =	ssyncadd.s32 $0xFFFFF000  }
0x38: {  	[spmem:s4] =	stream.indirect.scatter.add.f32 [tilespmem:s15], [sflag:$0x3], $0x20, s29, s14, $0xb8;
	[tilespmem:$0x15B20] =	vst v63  }
0x39: {  	_ =	swait.ge [sflag:s19], $0x1000  }
0x3a: {  	[sflag:s19] =	ssyncset.done $0x0  }
0x3b: {  	s29 =	simm.s32 $0x400;
	[sflag:s19] =	ssyncadd.s32 $0xFFFFF000  }
0x3c: {  	[tilespmem:s15], [sflag:$0x1] =	stream.indirect.gather [spmem:s3], $0x20, s29, s14, $0xb8;
	[tilespmem:$0x15B20] =	vst v63  }
0x3d: {  	_ =	swait.ge [sflag:s21], $0x1000  }
0x3e: {  	[sflag:s21] =	ssyncset.done $0x0  }
0x3f: {  	s30 =	simm.s32 $0x380;
	s29 =	simm.s32 $0xFFFDA000;
	[sflag:s21] =	ssyncadd.s32 $0xFFFFF000  }
.LBB2_2:
0x40: {  	[spmem:s4] =	stream.indirect.scatter.add.f32 [tilespmem:s17], [sflag:$0x4], $0x20, s30, s14, $0xb8;
	[tilespmem:$0x15B20] =	vst v63  }
0x41: {  	s30 =	smov.u32 s29  }
0x42: {  	p0 =	sne.s32 s29, $0xFFFFF800;
	s29 =	sadd.s32 $0x800, s29;
	_ =	swait.ge [sflag:s23], $0x1000  }
0x43: {  	s30 =	sshra.s32 s30, $0x2;
	[sflag:s23] =	ssyncset.done $0x0  }
0x44: {  	s31 =	sadd.s32 $0x9D00, s30;
	[sflag:s23] =	ssyncadd.s32 $0xFFFFF000  }
0x45: {  	[tilespmem:s17], [sflag:$0x2] =	stream.indirect.gather [spmem:s3], $0x20, s31, s14, $0xb8;
	[tilespmem:$0x15B20] =	vst v63  }
0x46: {  	_ =	swait.ge [sflag:s18], $0x1000  }
0x47: {  	[sflag:s18] =	ssyncset.done $0x0  }
0x48: {  	s31 =	sadd.s32 $0x9C80, s30;
	[sflag:s18] =	ssyncadd.s32 $0xFFFFF000  }
0x49: {  	[spmem:s4] =	stream.indirect.scatter.add.f32 [tilespmem:s15], [sflag:$0x3], $0x20, s31, s14, $0xb8;
	[tilespmem:$0x15B20] =	vst v63  }
0x4a: {  	_ =	swait.ge [sflag:s19], $0x1000  }
0x4b: {  	[sflag:s19] =	ssyncset.done $0x0  }
.Ltmp0:
0x4c: {  	s31 =	sadd.s32 $0x9E00, s30;
	[sflag:s19] =	ssyncadd.s32 $0xFFFFF000;
	(pc) =	sbr.rel @p0 .LBB2_2-.Ltmp0, $4  }
0x4d: {  	[tilespmem:s15], [sflag:$0x1] =	stream.indirect.gather [spmem:s3], $0x20, s31, s14, $0xb8;
	[tilespmem:$0x15B20] =	vst v63  }
0x4e: {  	_ =	swait.ge [sflag:s21], $0x1000  }
0x4f: {  	[sflag:s21] =	ssyncset.done $0x0  }
0x50: {  	s30 =	sadd.s32 $0x9D80, s30;
	[sflag:s21] =	ssyncadd.s32 $0xFFFFF000  }
0x51: {  	[spmem:s4] =	stream.indirect.scatter.add.f32 [tilespmem:s17], [sflag:$0x4], $0x20, s30, s14, $0xb8;
	[tilespmem:$0x15B20] =	vst v63  }
0x52: {  	_ =	swait.ge [sflag:s23], $0x1000  }
0x53: {  	[sflag:s23] =	ssyncset.done $0x0  }
0x54: {  	[sflag:s23] =	ssyncadd.s32 $0xFFFFF000  }
0x55: {  	[tilespmem:s17], [sflag:$0x2] =	stream.indirect.gather [spmem:s3], $0x20, s24, s14, $0xb8;
	[tilespmem:$0x15B20] =	vst v63  }
0x56: {  	_ =	swait.ge [sflag:s18], $0x1000  }
0x57: {  	[sflag:s18] =	ssyncset.done $0x0  }
0x58: {  	[sflag:s18] =	ssyncadd.s32 $0xFFFFF000  }
0x59: {  	[spmem:s4] =	stream.indirect.scatter.add.f32 [tilespmem:s15], [sflag:$0x3], $0x20, s25, s14, $0xb8;
	[tilespmem:$0x15B20] =	vst v63  }
0x5a: {  	_ =	swait.ge [sflag:s19], $0x1000  }
0x5b: {  	[sflag:s19] =	ssyncset.done $0x0  }
0x5c: {  	[sflag:s19] =	ssyncadd.s32 $0xFFFFF000  }
0x5d: {  	_ =	swait.ge [sflag:s21], $0x1000  }
0x5e: {  	[sflag:s21] =	ssyncset.done $0x0  }
0x5f: {  	[sflag:s21] =	ssyncadd.s32 $0xFFFFF000  }
0x60: {  	[spmem:s4] =	stream.indirect.scatter.add.f32 [tilespmem:s17], [sflag:$0x4], $0x20, s26, s14, $0xb8;
	[tilespmem:$0x15B20] =	vst v63  }
0x61: {  	_ =	swait.ge [sflag:s23], $0x1000  }
0x62: {  	s28 =	sadd.s32 $0x1, s28;
	[sflag:s23] =	ssyncset.done $0x0  }
0x63: {  	p0 =	sne.s32 s28, s10;
	[sflag:s23] =	ssyncadd.s32 $0xFFFFF000  }
.Ltmp1:
0x64: {  	[bflag:$0x0] =	sbarrier.arrive $0xFFFF;
	(pc) =	sbr.rel @p0 .LBB2_1-.Ltmp1, $4  }
0x65: {  	[hbm:s9], [sflag:s7] =	dma.local [spmem:s13], $0x9E0  }
0x66: {  	_ =	swait.ge [sflag:s12], $0x9E0  }
0x67: {  	[sflag:s12] =	ssyncset.done $0x0  }
0x68: {  	[sflag:s12] =	ssyncadd.s32 $0xFFFFF620  }
0x69: {  	_ =	sfence.sel $0x180000  }
0x6a: {  	[bflag:$0x0] =	sbarrier.arrive $0xFFFF  }
0x6b: {  	p0 =	sne.s32 s0, $0x0;
	_ =	strace $0x9000004D  }
0x6c: {  	s0 =	sadd.s32 @!p0 $0x100000, s2;
	[bflag:$0x2] =	sbarrier.arrive $0xFFFF  }
0x6d: {  	[sflag:s0] =	ssyncadd.tile.s32 @!p0 $0x1;
	_ =	shalt  }
.Lfunc_end2:
_tile_overlayer_lowered:
.L_overlay_start_2:
0x6e: {  	(tag) =	ssettag $0x2  }
0x6f: {  	s0 =	rddreg [dreg:$0x0];
	s2 =	stileid.u32  }
0x70: {  	s1 =	rddreg [dreg:$0x1];
	p0 =	sne.s32 s2, $0x0  }
0x71: {  	s3 =	rddreg [dreg:$0x2];
	[bflag:$0x3] =	sbarrier.arrive $0xFFFF;
	s2 =	simm.s32 @!p0 $0x1C05  }
0x72: {  	[timem:s3], [sflag:s2] =	dma.local @!p0 [hbm:s0], s1  }
0x73: {  	s0 =	simm.s32 @!p0 $0x5  }
0x74: {  	_ =	swait.ge @!p0 [sflag:s0], s1  }
0x75: {  	s1 =	ssub.s32 @!p0 $0x0, s1;
	[sflag:s0] =	ssyncset.done @!p0 $0x0  }
0x76: {  	[sflag:s0] =	ssyncadd.s32 @!p0 s1  }
0x77: {  	[bflag:$0x3] =	sbarrier.arrive $0xFFFF  }
0x78: {  	_ =	shalt  }

// kernel: kernel.8.cloned.1.call-start
scs
__scs_entry_jumppad:
0x0: {  	(pc) =	sbr.rel $0x88, $3  }
0x1: {  	(tag) =	ssettag $0x0;
	lr =	simm.s32 $0x1  }
0x2: {  	[smem:$0x3F9B] =	sst lr;
	_ =	strace $0xD0000000  }
0x3: {  	_ = 	snop  }
0x4: {  	_ = 	snop  }
0x5: {  	_ = 	snop  }
0x6: {  	_ = 	snop  }
0x7: {  	_ = 	snop  }
__scs_overlays_trampoline_lowered:
0x8: {  	[smem:$0x3FAA] =	sst s0  }
0x9: {  	[smem:$0x3FAB] =	sst s1  }
0xa: {  	[smem:$0x3FAC] =	sst s2  }
0xb: {  	[smem:$0x3FAD] =	sst s3  }
0xc: {  	[smem:$0x3FAE] =	sst s4  }
0xd: {  	[smem:$0x3FAF] =	sst s5  }
0xe: {  	[smem:$0x3FB0] =	sst s6  }
0xf: {  	[smem:$0x3FB1] =	sst s7  }
0x10: {  	[smem:$0x3FB2] =	sst s8  }
0x11: {  	[smem:$0x3FB3] =	sst s9;
	s0 =	simm.s32 @!p0 $0x0  }
0x12: {  	s1 =	sld [smem:$0x3F99];
	s0 =	simm.s32 @p0 $0x1  }
0x13: {  	[smem:$0x3FB4] =	sst s0;
	s0 =	simm.s32 @!p1 $0x0  }
0x14: {  	s2 =	sld [smem:$0x3F98];
	s0 =	simm.s32 @p1 $0x1  }
0x15: {  	[smem:$0x3FB5] =	sst s0;
	s0 =	simm.s32 @!p2 $0x0  }
0x16: {  	s3 =	sld [smem:$0x3FDB];
	s0 =	simm.s32 @p2 $0x1  }
0x17: {  	s4 =	simm.s32 $0x1BF5;
	[smem:$0x3FB7] =	sst s0  }
0x18: {  	s0 =	sld [smem:$0x3F9A];
	_ =	swait.ge [sflag:s4], $0x0  }
0x19: {  	s7 =	sld [smem:$0x3F9B]  }
0x1a: {  	s8 =	sadd.s32 $0xFFFFE003, lr  }
0x1b: {  	s9 =	sadd.s32 $0xFFFFFEF7, lr;
	s5 =	simm.s32 $0xFFFFFFFF;
	p2 =	slt.u32 s8, $0xFFFFF086  }
0x1c: {  	p1 =	slt.u32 s9, $0xF7A;
	s5 =	simm.s32 @!p2 $0x0  }
0x1d: {  	s5 =	simm.s32 @p1 $0x1;
	p0 =	seq.s32 s7, s2  }
0x1e: {  	s7 =	smul.u32 @!p0 $0xF7A, s2;
	p2 =	seq.s32 @!p0 s5, $0x0  }
0x1f: {  	s9 =	smul.u32 $0xF7A, s1;
	s8 =	simm.s32 @!p0 $0x1BF5;
	p2 =	por !p2, p0  }
0x20: {  	[sflag:s8] =	ssyncset.s32 @!p0 $0xFFFFF086;
	s6 =	sadd.s32 @!p0 s3, s7;
	s7 =	simm.s32 @!p0 $0x108  }
0x21: {  	s3 =	sadd.s32 s3, s9;
	s6 =	sadd.s32 @!p0 $0x88, s6;
	s7 =	simm.s32 @p2 $0x1082  }
0x22: {  	[simem:s7], [sflag:s8] =	dma.local @!p0 [hbm:s6], $0xF7A  }
0x23: {  	s9 =	sor.u32 $0xD0000000, s2;
	s6 =	simm.s32 $0x108;
	_ =	swait.ge @!p0 [sflag:s8], $0x0  }
0x24: {  	s3 =	sadd.s32 $0x88, s3;
	s6 =	simm.s32 @!p1 $0x1082;
	[sflag:s4] =	ssyncset.s32 $0xFFFFF086  }
0x25: {  	[simem:s6], [sflag:s4] =	dma.local [hbm:s3], $0xF7A  }
0x26: {  	[smem:$0x3F9B] =	sst s1;
	(tag) =	ssettag s2;
	_ =	strace s9  }
0x27: {  	s1 =	sld [smem:$0x3FAB]  }
0x28: {  	s2 =	sld [smem:$0x3FAC]  }
0x29: {  	s4 =	sld [smem:$0x3FAE]  }
0x2a: {  	p0 =	seq.s32 s5, $0x0;
	s5 =	sld [smem:$0x3FAF]  }
0x2b: {  	s6 =	sld [smem:$0x3FB0]  }
0x2c: {  	s7 =	sld [smem:$0x3FB1]  }
0x2d: {  	s3 =	simm.s32 $0x108;
	s8 =	sld [smem:$0x3FB2]  }
0x2e: {  	s3 =	simm.s32 @!p0 $0x1082;
	s9 =	sld [smem:$0x3FB3]  }
0x2f: {  	lr =	sadd.s32 s0, s3;
	s0 =	sld [smem:$0x3FAA]  }
0x30: {  	s3 =	sld [smem:$0x3FAD]  }
0x31: {  	[smem:$0x3FB6] =	sst s10  }
0x32: {  	s10 =	sld [smem:$0x3FB4];
	_ =	sdelay $0x3  }
0x33: {  	p0 =	seq.s32 s10, $0x1;
	s10 =	sld [smem:$0x3FB6];
	_ =	sdelay $0x3  }
0x34: {  	[smem:$0x3FB6] =	sst s10  }
0x35: {  	s10 =	sld [smem:$0x3FB5];
	_ =	sdelay $0x3  }
0x36: {  	p1 =	seq.s32 s10, $0x1;
	s10 =	sld [smem:$0x3FB6];
	_ =	sdelay $0x3  }
0x37: {  	[smem:$0x3FB6] =	sst s10  }
0x38: {  	s10 =	sld [smem:$0x3FB7]  }
0x39: {  	_ = 	snop;
	(pc) =	sbr.ind lr, $3  }
0x3a: {  	_ = 	snop  }
0x3b: {  	_ = 	snop  }
0x3c: {  	p2 =	seq.s32 s10, $0x1;
	s10 =	sld [smem:$0x3FB6]  }
0x3d: {  	_ =	shalt  }
0x3e: {  	_ =	shalt  }
0x3f: {  	_ =	shalt  }
0x40: {  	_ =	shalt  }
0x41: {  	_ =	shalt  }
0x42: {  	_ =	shalt  }
0x43: {  	_ =	shalt  }
0x44: {  	_ =	shalt  }
0x45: {  	_ =	shalt  }
0x46: {  	_ =	shalt  }
0x47: {  	_ =	shalt  }
0x48: {  	_ =	shalt  }
0x49: {  	_ =	shalt  }
0x4a: {  	_ =	shalt  }
0x4b: {  	_ =	shalt  }
0x4c: {  	_ =	shalt  }
0x4d: {  	_ =	shalt  }
0x4e: {  	_ =	shalt  }
0x4f: {  	_ =	shalt  }
0x50: {  	_ =	shalt  }
0x51: {  	_ =	shalt  }
0x52: {  	_ =	shalt  }
0x53: {  	_ =	shalt  }
0x54: {  	_ =	shalt  }
0x55: {  	_ =	shalt  }
0x56: {  	_ =	shalt  }
0x57: {  	_ =	shalt  }
0x58: {  	_ =	shalt  }
0x59: {  	_ =	shalt  }
0x5a: {  	_ =	shalt  }
0x5b: {  	_ =	shalt  }
0x5c: {  	_ =	shalt  }
0x5d: {  	_ =	shalt  }
0x5e: {  	_ =	shalt  }
0x5f: {  	_ =	shalt  }
0x60: {  	_ =	shalt  }
0x61: {  	_ =	shalt  }
0x62: {  	_ =	shalt  }
0x63: {  	_ =	shalt  }
0x64: {  	_ =	shalt  }
0x65: {  	_ =	shalt  }
0x66: {  	_ =	shalt  }
0x67: {  	_ =	shalt  }
0x68: {  	_ =	shalt  }
0x69: {  	_ =	shalt  }
0x6a: {  	_ =	shalt  }
0x6b: {  	_ =	shalt  }
0x6c: {  	_ =	shalt  }
0x6d: {  	_ =	shalt  }
0x6e: {  	_ =	shalt  }
0x6f: {  	_ =	shalt  }
0x70: {  	_ =	shalt  }
0x71: {  	_ =	shalt  }
0x72: {  	_ =	shalt  }
0x73: {  	_ =	shalt  }
0x74: {  	_ =	shalt  }
0x75: {  	_ =	shalt  }
0x76: {  	_ =	shalt  }
0x77: {  	_ =	shalt  }
0x78: {  	_ =	shalt  }
0x79: {  	_ =	shalt  }
0x7a: {  	_ =	shalt  }
0x7b: {  	_ =	shalt  }
0x7c: {  	_ =	shalt  }
0x7d: {  	_ =	shalt  }
0x7e: {  	_ =	shalt  }
0x7f: {  	_ =	shalt  }
0x80: {  	_ =	shalt  }
0x81: {  	_ =	shalt  }
0x82: {  	_ =	shalt  }
0x83: {  	_ =	shalt  }
0x84: {  	_ =	shalt  }
0x85: {  	_ =	shalt  }
0x86: {  	_ =	shalt  }
0x87: {  	_ =	shalt  }
.Lfunc_end0:
.L_simem_size_0:
called_computation_lowered:
.L_overlay_start_0:
0x88: {  	s2 =	sld [smem:$0x3FD9]  }
0x89: {  	s3 =	sld [smem:$0x3FFE];
	_ =	sdelay $0x1  }
0x8a: {  	s1 =	srdreg.scid  }
0x8b: {  	s0 =	sand.u32 $0x1, s1  }
0x8c: {  	s17 =	sshll.u32 s0, $0xA;
	s2 =	sadd.s32 s3, s2  }
0x8d: {  	s2 =	sadd.s32 s2, s17  }
0x8e: {  	[smem:$0x3FC2] =	sst s2  }
0x8f: {  	_ = 	snop  }
0x90: {  	s2 =	sld [smem:$0x3FD0];
	(tm) =	ssettm $0x1  }
0x91: {  	s18 =	sld [smem:$0x3FFB];
	_ =	sdelay $0x3  }
0x92: {  	_ =	strace s18  }
0x93: {  	s3 =	sld [smem:$0x3FFC];
	_ =	sdelay $0x3  }
0x94: {  	_ =	strace s3  }
0x95: {  	s3 =	sld [smem:$0x3FFD];
	_ =	sdelay $0x3  }
0x96: {  	_ =	strace s3  }
0x97: {  	_ =	strace $0x8FFFFFFF  }
0x98: {  	s19 =	sld [smem:$0x3FDB];
	_ =	sdelay $0x1  }
0x99: {  	s4 =	simm.s32 $_scs_section_size  }
0x9a: {  	s5 =	simm.s32 $_size__tile_overlayer_lowered;
	s6 =	simm.s32 $_tile_overlayer_lowered  }
0x9b: {  	s22 =	simm.s32 $0x1BFF;
	s21 =	sshll.u32 s6, $0x1;
	s3 =	sadd.s32 s4, s19  }
0x9c: {  	s7 =	simm.s32 $0x0;
	s20 =	sshll.u32 s5, $0x1;
	s5 =	sadd.s32 s21, s3  }
0x9d: {  	[timem:s7], [sflag:s22] =	dma.local [hbm:s5], s20  }
0x9e: {  	_ =	swait.ge [sflag:s22], s20  }
0x9f: {  	s4 =	ssub.s32 $0x0, s20;
	[sflag:s22] =	ssyncset.done $0x0  }
0xa0: {  	[sflag:s22] =	ssyncadd.s32 s4;
	_ =	sdelay $0x1  }
0xa1: {  	s23 =	simm.s32 $0x1B8B  }
0xa2: {  	_ =	swait.ge [sflag:s23], $0x1  }
0xa3: {  	[sflag:s23] =	ssyncset.done $0x0  }
0xa4: {  	s25 =	simm.s32 $0x1B8E;
	s24 =	sld [smem:$0x3FFE];
	[sflag:s23] =	ssyncadd.s32 $0xFFFFFFFF  }
0xa5: {  	s26 =	simm.s32 $execute0_lowered;
	[smem:$0x3FD2] =	sst s25  }
0xa6: {  	s5 =	sshll.u32 s26, $0x1;
	_ =	strace $0x80000046;
	[dreg:$0x1] =	wrdreg $0xFFFFFFFF  }
0xa7: {  	s28 =	simm.s32 $_size_execute0_lowered;
	s3 =	sadd.s32 s3, s5;
	[dreg:$0x0] =	wrdreg $0x0  }
0xa8: {  	s5 =	sshll.u32 s28, $0x1;
	[dreg:$0x2] =	wrdreg s3  }
0xa9: {  	[dreg:$0x3] =	wrdreg s5  }
0xaa: {  	[dreg:$0x4] =	wrdreg $0xC0  }
0xab: {  	_ =	task [dreg:s7], $0x5FFFF  }
0xac: {  	[dreg:$0x1] =	wrdreg $0xFFFFFFFF  }
0xad: {  	[dreg:$0x0] =	wrdreg $0x60  }
0xae: {  	[dreg:$0x2] =	wrdreg s2  }
0xaf: {  	[dreg:$0x3] =	wrdreg s24  }
0xb0: {  	[dreg:$0x4] =	wrdreg $0x2F800  }
0xb1: {  	[dreg:$0x5] =	wrdreg $0x9  }
0xb2: {  	_ =	task.clear_ibuf [dreg:s7], $0x6FFFF;
	_ =	strace $0x90000046  }
0xb3: {  	s29 =	simm.s32 $0x9;
	_ =	strace $0x80000048  }
0xb4: {  	_ =	swait.ge [sflag:s29], $0x1  }
0xb5: {  	[sflag:s29] =	ssyncadd.s32 $0xFFFFFFFF  }
0xb6: {  	_ =	strace $0x90000048  }
0xb7: {  	_ =	sfence  }
0xb8: {  	s30 =	sld [smem:$0x0];
	_ =	sdelay $0x2  }
0xb9: {  	s31 =	sshll.u32 s1, $0xD;
	s1 =	sshrl.u32 s1, $0x2  }
0xba: {  	s3 =	sand.u32 $0x4000, s31;
	s1 =	sadd.s32 s1, s30  }
0xbb: {  	s0 =	sor.u32 s3, s0;
	s1 =	sshll.u32 s1, $0x11  }
0xbc: {  	s0 =	sor.u32 s1, s0  }
0xbd: {  	s0 =	sadd.s32 $0x8F2B, s0  }
0xbe: {  	[sflag:s0] =	ssyncadd.remote.s32 $0x1  }
0xbf: {  	_ =	sfence.sel $0xFFFF  }
0xc0: {  	[dreg:$0x0] =	wrdreg $0xFFFFFFFF;
	(pc) =	sbr.abs _section_cstart, $3  }
0xc1: {  	[dreg:$0x1] =	wrdreg $0xFFFFFFFF  }
0xc2: {  	_ =	task.clear_ibuf [dreg:s7], $0x2FFFF;
	_ =	strace $0x9FFFFFFF  }
0xc3: {  	(tm) =	ssettm $0x7FFFFFFF  }
tec
execute0_lowered:
.L_overlay_start_1:
0x0: {  	(tag) =	ssettag $0x1  }
0x1: {  	s6 =	rddreg [dreg:$0x0]  }
0x2: {  	s7 =	rddreg [dreg:$0x1]  }
0x3: {  	s2 =	rddreg [dreg:$0x2]  }
0x4: {  	s0 =	rddreg [dreg:$0x3];
	s4 =	srdreg.scid  }
0x5: {  	s1 =	stileid.u32;
	s3 =	simm.s32 $0x0;
	s13 =	simm.s32 $0x80  }
0x6: {  	s14 =	simm.s32 $0x1;
	s15 =	simm.s32 $0x0;
	s5 =	sand.u32 $0x1, s4  }
0x7: {  	s8 =	smul.u32 $0x2780, s1;
	[smem:$0x7FF] =	sst s3;
	s4 =	sadd.s32 $0x2A00, s7  }
0x8: {  	s31 =	sshll.u32 s1, $0x6;
	s9 =	smul.u32 $0x27800, s5;
	_ =	strace $0x80000047  }
0x9: {  	s10 =	sshll.u32 s5, $0x4;
	s11 =	ssub.s32 $0x2, s5;
	s5 =	sadd.s32 $0x2400, s7  }
0xa: {  	s26 =	sor.u32 s1, s10;
	s28 =	sshrl.u32 s11, $0x1;
	s30 =	sadd.s32 s8, s2  }
0xb: {  	s10 =	simm.s32 $0x2780;
	s9 =	sadd.s32 s8, s9;
	s12 =	smul.u32 $0x4F0, s26  }
0xc: {  	s29 =	ssub.s32 s11, s28;
	s11 =	sor.u32 $0x1C02, s31;
	s9 =	sshrl.u32 s9, $0x3  }
0xd: {  	s8 =	smax.u32 s29, $0x1;
	s7 =	sadd.s32 s9, s7;
	s6 =	sadd.s32 s6, s12  }
0xe: {  	s9 =	simm.s32 $0x2;
	s12 =	sshrl.u32 s30, $0x3;
	s7 =	sadd.s32 $0x2C00, s7  }
.LBB2_1:
0xf: {  	[tilespmem:s3], [sflag:$0x2] =	stream.linear.gather [hbm4b:s6+s3], $0x2780, $0x38;
	[tilespmem:$0x5700] =	vst v63  }
0x10: {  	_ =	swait.ge [sflag:s9], $0x2780  }
0x11: {  	[sflag:s9] =	ssyncset.done $0x0  }
0x12: {  	[sflag:s9] =	ssyncadd.s32 $0xFFFFD880  }
0x13: {  	[tilespmem:s10], [sflag:$0x2] =	stream.linear.gather [hbm4b:s4+s3], $0x800, $0x38;
	[tilespmem:$0x5700] =	vst v63  }
0x14: {  	_ =	swait.ge [sflag:s9], $0x800  }
0x15: {  	[sflag:s9] =	ssyncset.done $0x0  }
0x16: {  	[sflag:s9] =	ssyncadd.s32 $0xFFFFF800  }
0x17: {  	[spmem:s12], [sflag:s11] =	dma.local [hbm:s5], $0x4F0  }
0x18: {  	_ =	swait.ge [sflag:s9], $0x4F0  }
0x19: {  	[sflag:s9] =	ssyncset.done $0x0  }
0x1a: {  	[sflag:s9] =	ssyncadd.s32 $0xFFFFFB10  }
0x1b: {  	s16 =	simm.s32 $0x0;
	[bflag:$0x0] =	sbarrier.arrive $0xFFFF  }
.LBB2_2:
0x1c: {  	p0 =	sne.s32 s16, $0x9C00  }
.Ltmp0:
0x1d: {  	_ = 	snop;
	(pc) =	sbr.rel @p0 .LBB2_2-.Ltmp0, $3  }
0x1e: {  	_ =	sdelay $0x1  }
0x1f: {  	s17 =	sshra.s32 s16, $0x2;
	s16 =	sadd.s32 $0x200, s16  }
0x20: {  	[spmem:s2] =	stream.indirect.scatter.add.f32 [tilespmem:s10], [sflag:$0x1], $0x10, s17, s13, $0xb8;
	[tilespmem:$0x5700] =	vst v63  }
0x21: {  	_ =	swait.ge [sflag:s14], $0x800  }
0x22: {  	s16 =	simm.s32 $0x4E;
	[sflag:s14] =	ssyncset.done $0x0  }
.LBB2_4:
0x23: {  	p0 =	sne.s32 s16, $0x1;
	s16 =	sadd.s32 $0xFFFFFFFF, s16;
	[sflag:s14] =	ssyncadd.s32 $0xFFFFF800  }
.Ltmp1:
0x24: {  	(pc) =	sbr.rel @p0 .LBB2_4-.Ltmp1, $3  }
0x25: {  	_ =	sdelay $0x1  }
0x26: {  	_ =	swait.ge [sflag:s14], $0x800  }
0x27: {  	[sflag:s14] =	ssyncset.done $0x0  }
0x28: {  	s15 =	sadd.s32 $0x1, s15  }
0x29: {  	[sflag:s14] =	ssyncadd.s32 $0xFFFFF800;
	p0 =	sne.s32 s15, s8  }
.Ltmp2:
0x2a: {  	[bflag:$0x0] =	sbarrier.arrive $0xFFFF;
	(pc) =	sbr.rel @p0 .LBB2_1-.Ltmp2, $4  }
0x2b: {  	[hbm:s7], [sflag:s11] =	dma.local [spmem:s12], $0x4F0  }
0x2c: {  	_ =	swait.ge [sflag:s9], $0x4F0  }
0x2d: {  	[sflag:s9] =	ssyncset.done $0x0  }
0x2e: {  	[sflag:s9] =	ssyncadd.s32 $0xFFFFFB10  }
0x2f: {  	_ =	sfence.sel $0x180000  }
0x30: {  	[bflag:$0x0] =	sbarrier.arrive $0xFFFF  }
0x31: {  	p0 =	sne.s32 s1, $0x0;
	_ =	strace $0x90000047  }
0x32: {  	s0 =	sadd.s32 @!p0 $0x100000, s0;
	[bflag:$0x2] =	sbarrier.arrive $0xFFFF  }
0x33: {  	[sflag:s0] =	ssyncadd.tile.s32 @!p0 $0x1;
	_ =	shalt  }
.Lfunc_end2:
_tile_overlayer_lowered:
.L_overlay_start_2:
0x34: {  	(tag) =	ssettag $0x2  }
0x35: {  	s0 =	rddreg [dreg:$0x0];
	s2 =	stileid.u32  }
0x36: {  	s1 =	rddreg [dreg:$0x1];
	p0 =	sne.s32 s2, $0x0  }
0x37: {  	s3 =	rddreg [dreg:$0x2];
	[bflag:$0x3] =	sbarrier.arrive $0xFFFF;
	s2 =	simm.s32 @!p0 $0x1C02  }
0x38: {  	[timem:s3], [sflag:s2] =	dma.local @!p0 [hbm:s0], s1  }
0x39: {  	s0 =	simm.s32 @!p0 $0x2  }
0x3a: {  	_ =	swait.ge @!p0 [sflag:s0], s1  }
0x3b: {  	s1 =	ssub.s32 @!p0 $0x0, s1;
	[sflag:s0] =	ssyncset.done @!p0 $0x0  }
0x3c: {  	[sflag:s0] =	ssyncadd.s32 @!p0 s1  }
0x3d: {  	[bflag:$0x3] =	sbarrier.arrive $0xFFFF  }
0x3e: {  	_ =	shalt  }

</sc_bundles>
